<compile_context>
chip_gen: v7x
topology: tpu7x:2x2x1
jax: 0.10.2.dev20260603
libtpu: 0.0.44.dev20260713+nightly
codegen_flags: <defaults>
</compile_context>

<pallas_src>
import functools

import jax
import jax.numpy as jnp
from jax import lax
from jax.experimental import pallas as pl
from jax.experimental.pallas import tpu as pltpu
from jax.experimental.pallas import tpu_sc as plsc

N, E, D, H, C, B = 10000, 320000, 128, 128, 64, 16

NC, NS = 2, 16
NW = NC * NS
FPW = D // NW
ECH = 4000
NCHUNKS = E // ECH
NB = 2
LANES = 16

def _edge_agg_body(xT_hbm, src_hbm, dst_hbm, out_hbm, xv, acc,
                   srcv0, dstv0, srcv1, dstv1, ssem0, dsem0, ssem1, dsem1):
    wid = lax.axis_index("s") * NC + lax.axis_index("c")
    base = wid * FPW
    srcs, dsts = (srcv0, srcv1), (dstv0, dstv1)
    ssems, dsems = (ssem0, ssem1), (dsem0, dsem1)

    def _start(b, ci):
        e0 = ci * ECH
        pltpu.make_async_copy(src_hbm.at[pl.ds(e0, ECH)], srcs[b],
                              ssems[b]).start()
        pltpu.make_async_copy(dst_hbm.at[pl.ds(e0, ECH)], dsts[b],
                              dsems[b]).start()

    def _wait(b):
        pltpu.make_async_copy(src_hbm.at[pl.ds(0, ECH)], srcs[b],
                              ssems[b]).wait()
        pltpu.make_async_copy(dst_hbm.at[pl.ds(0, ECH)], dsts[b],
                              dsems[b]).wait()

    for b in range(NB):
        _start(b, b)

    pltpu.sync_copy(xT_hbm.at[pl.ds(base * N, FPW * N)], xv)

    zero16 = jnp.zeros((LANES,), jnp.float32)

    def _zero(i, _):
        acc[pl.ds(i * LANES, LANES)] = zero16
        return 0

    lax.fori_loop(0, FPW * N // LANES, _zero, 0, unroll=8)

    def _pair(p, _):
        for b in range(NB):
            ci = p * NB + b
            _wait(b)
            sv, dv = srcs[b], dsts[b]

            @plsc.parallel_loop(0, ECH // LANES, unroll=1)
            def _edges(j):
                s16 = sv[pl.ds(j * LANES, LANES)]
                d16 = dv[pl.ds(j * LANES, LANES)]
                for f in range(FPW):
                    v = plsc.load_gather(xv, [s16 + (f * N)])
                    plsc.addupdate_scatter(acc, [d16 + (f * N)], v)

            @pl.when(ci + NB < NCHUNKS)
            def _():
                _start(b, ci + NB)
        return 0

    lax.fori_loop(0, NCHUNKS // NB, _pair, 0)
    pltpu.sync_copy(acc, out_hbm.at[pl.ds(base * N, FPW * N)])


@functools.lru_cache(maxsize=1)
def _edge_agg():
    mesh = plsc.VectorSubcoreMesh(core_axis_name="c", subcore_axis_name="s",
                                  num_cores=NC, num_subcores=NS)
    return pl.kernel(
        _edge_agg_body,
        out_type=jax.ShapeDtypeStruct((D * N,), jnp.float32),
        mesh=mesh,
        compiler_params=pltpu.CompilerParams(needs_layout_passes=False),
        scratch_types=[
            pltpu.VMEM((FPW * N,), jnp.float32),
            pltpu.VMEM((FPW * N,), jnp.float32),
            pltpu.VMEM((ECH,), jnp.int32),
            pltpu.VMEM((ECH,), jnp.int32),
            pltpu.VMEM((ECH,), jnp.int32),
            pltpu.VMEM((ECH,), jnp.int32),
            pltpu.SemaphoreType.DMA,
            pltpu.SemaphoreType.DMA,
            pltpu.SemaphoreType.DMA,
            pltpu.SemaphoreType.DMA,
        ],
    )


NEG = float("-inf")


def _probs_body(x_ref, W1_ref, b1_ref, W2_ref, b2_ref, W_root_ref,
                b_rel_ref, probs_ref, xroot_ref):
    x = x_ref[...]

    h = jnp.maximum(
        jnp.dot(x, W1_ref[...], preferred_element_type=jnp.float32)
        + b1_ref[...], 0.0)
    logits = (jnp.dot(h, W2_ref[...], preferred_element_type=jnp.float32)
              + b2_ref[...])
    m = jnp.max(logits, axis=-1, keepdims=True)
    e = jnp.exp(logits - m)
    probs_ref[...] = e / jnp.sum(e, axis=-1, keepdims=True)

    xroot_ref[...] = (
        jnp.dot(x, W_root_ref[...], preferred_element_type=jnp.float32)
        + b_rel_ref[...])


_probs = pl.pallas_call(
    _probs_body,
    out_shape=[
        jax.ShapeDtypeStruct((N, C), jnp.float32),
        jax.ShapeDtypeStruct((N, H), jnp.float32),
    ],
)


def _dense_body(aggT_ref, xroot_ref, batch_ref, batch_col_ref,
                W_rel_ref, W_out_ref, b_out_ref, ge_ref):
    aggT = aggT_ref[...]
    conv = (lax.dot_general(aggT, W_rel_ref[...],
                            (((0,), (0,)), ((), ())),
                            preferred_element_type=jnp.float32)
            + xroot_ref[...])

    bt_row = batch_ref[...]
    bt_col = batch_col_ref[...]
    seg = lax.broadcasted_iota(jnp.int32, (B, N), 0)
    onehot = (bt_row == seg).astype(jnp.float32)
    addp = jnp.dot(onehot, conv, preferred_element_type=jnp.float32)
    cnt = jnp.broadcast_to(jnp.sum(onehot, axis=1, keepdims=True), (B, H))
    meanp = addp / jnp.maximum(cnt, 1.0)

    rows = []
    for b in range(B):
        mask = bt_col == b
        rows.append(jnp.max(jnp.where(mask, conv, NEG), axis=0,
                            keepdims=True))
    maxp = jnp.concatenate(rows, axis=0)

    W_out = W_out_ref[...]
    ge_ref[...] = (
        jnp.dot(meanp, W_out[0:H, :], preferred_element_type=jnp.float32)
        + jnp.dot(maxp, W_out[H:2 * H, :], preferred_element_type=jnp.float32)
        + jnp.dot(addp, W_out[2 * H:3 * H, :],
                  preferred_element_type=jnp.float32)
        + b_out_ref[...])


_dense = pl.pallas_call(
    _dense_body,
    out_shape=jax.ShapeDtypeStruct((B, H), jnp.float32),
)


def kernel(x, edge_index, batch, W1, b1, W2, b2, W_rel, b_rel, W_root,
           W_out, b_out):
    xT = x.T.reshape(-1)
    aggT = _edge_agg()(xT, edge_index[0], edge_index[1]).reshape(D, N)
    probs, xroot = _probs(
        x, W1, b1.reshape(1, H), W2, b2.reshape(1, C), W_root,
        b_rel.reshape(1, H))
    ge = _dense(
        aggT, xroot, batch.reshape(1, N), batch.reshape(N, 1),
        W_rel, W_out, b_out.reshape(1, H))
    return (ge, probs)

# --- scband reference (transcript-rebuilt; emitter-appended) ---
"""Pipeline reference for scband-hierarchical-graph-pooling-40407052321098 (READ-ONLY COPY).

The authoritative reference and input builder live on the scoring server;
editing this copy changes nothing except your own understanding.
"""

import jax, jax.numpy as jnp
import numpy as np

N, E, D, H, C, B = 10000, 320000, 128, 128, 64, 16

def _unif(key, shape, fan_in):
    s = 1.0 / np.sqrt(fan_in)
    return jax.random.uniform(key, shape, minval=-s, maxval=s, dtype=jnp.float32)

def setup_inputs(seed: int = 0):
    key = jax.random.key(seed)
    ks = jax.random.split(key, 12)
    x = jax.random.normal(ks[0], (N, D), dtype=jnp.float32)
    edge_index = jax.random.randint(ks[1], (2, E), 0, N, dtype=jnp.int32)
    batch = jnp.sort(jax.random.randint(ks[2], (N,), 0, B, dtype=jnp.int32))
    return {
        'x': x,
        'edge_index': edge_index,
        'batch': batch,
        # cluster_assign MLP: Linear(D->H), ReLU, Dropout(eval=identity), Linear(H->C), Softmax
        'W1': _unif(ks[3], (D, H), D), 'b1': _unif(ks[4], (H,), D),
        'W2': _unif(ks[5], (H, C), H), 'b2': _unif(ks[6], (C,), H),
        # GraphConv (PyG-style): lin_rel on aggregated neighbors (+bias), lin_root on self (no bias)
        'W_rel': _unif(ks[7], (D, H), D), 'b_rel': _unif(ks[8], (H,), D),
        'W_root': _unif(ks[9], (D, H), D),
        # output_proj: Linear(3H -> H)
        'W_out': _unif(ks[10], (3 * H, H), 3 * H), 'b_out': _unif(ks[11], (H,), 3 * H),
    }

def reference(x, edge_index, batch, W1, b1, W2, b2, W_rel, b_rel, W_root, W_out, b_out):
    # cluster assignment (dropout is identity in eval mode)
    h = jax.nn.relu(x @ W1 + b1)
    cluster_probs = jax.nn.softmax(h @ W2 + b2, axis=-1)
    # soft cluster pooling of raw features (computed in torch forward, unused in outputs)
    cluster_features = cluster_probs.T @ x
    # GraphConv: sum-aggregate neighbor features over edges (gather + scatter-add)
    src = edge_index[0]
    dst = edge_index[1]
    agg = jax.ops.segment_sum(jnp.take(x, src, axis=0), dst, num_segments=N)
    conv_features = agg @ W_rel + b_rel + x @ W_root
    cluster_conv = cluster_probs.T @ conv_features
    # global pools over batch assignment
    add_pool = jax.ops.segment_sum(conv_features, batch, num_segments=B)
    counts = jax.ops.segment_sum(jnp.ones((N, 1), conv_features.dtype), batch, num_segments=B)
    mean_pool = add_pool / jnp.maximum(counts, 1.0)
    max_pool = jax.ops.segment_max(conv_features, batch, num_segments=B)
    graph_embed = jnp.concatenate([mean_pool, max_pool, add_pool], axis=-1) @ W_out + b_out
    return (graph_embed, cluster_probs)

if __name__ == "__main__":
    import jax
    _d = setup_inputs()
    print(jax.jit(kernel)(*tuple(_d.values())))

</pallas_src>

<mosaic_0001>
#map = affine_map<(d0, d1) -> (0)>
module attributes {stable_mosaic.version = 14 : i64} {
  func.func @_edge_agg_body(%arg0: i32, %arg1: i32, %arg2: memref<1280000xf32, #tpu.memory_space<hbm>>, %arg3: memref<320000xi32, #tpu.memory_space<hbm>>, %arg4: memref<320000xi32, #tpu.memory_space<hbm>>, %arg5: memref<1280000xf32, #tpu.memory_space<hbm>>, %arg6: memref<40000xf32, #tpu.memory_space<vmem>>, %arg7: memref<40000xf32, #tpu.memory_space<vmem>>, %arg8: memref<4000xi32, #tpu.memory_space<vmem>>, %arg9: memref<4000xi32, #tpu.memory_space<vmem>>, %arg10: memref<4000xi32, #tpu.memory_space<vmem>>, %arg11: memref<4000xi32, #tpu.memory_space<vmem>>, %arg12: memref<!tpu.dma_semaphore, #tpu.memory_space<semaphore_mem>>, %arg13: memref<!tpu.dma_semaphore, #tpu.memory_space<semaphore_mem>>, %arg14: memref<!tpu.dma_semaphore, #tpu.memory_space<semaphore_mem>>, %arg15: memref<!tpu.dma_semaphore, #tpu.memory_space<semaphore_mem>>) attributes {dimension_semantics = [#tpu.dimension_semantics<core_parallel>, #tpu.dimension_semantics<subcore_parallel>], iteration_bounds = array<i64: 2, 16>, scalar_prefetch = 0 : i64, scratch_operands = 10 : i64, tpu.core_type = #tpu.core_type<sc_vector_subcore>, window_params = [{transform_indices = #map}, {transform_indices = #map}, {transform_indices = #map}, {transform_indices = #map}]} {
    %mul3A = arith.constant 2 : i32
    %mul3A_0 = arith.muli %arg1, %mul3A : i32
    %add3A = arith.addi %mul3A_0, %arg0 : i32
    %mul3A_1 = arith.constant 4 : i32
    %mul3A_2 = arith.muli %add3A, %mul3A_1 : i32
    %dma_start3A = arith.constant 0 : i32
    %dma_start3A_3 = tpu.memref_slice %arg3[%dma_start3A] : memref<320000xi32, #tpu.memory_space<hbm>> -> memref<4000xi32, #tpu.memory_space<hbm>>
    %dma_start3A_4 = arith.constant 0 : i32
    %dma_start3A_5 = tpu.memref_slice %arg3[%dma_start3A_4] : memref<320000xi32, #tpu.memory_space<hbm>> -> memref<4000xi32, #tpu.memory_space<hbm>>
    tpu.enqueue_dma source(%dma_start3A_5 : memref<4000xi32, #tpu.memory_space<hbm>>) target(%arg8 : memref<4000xi32, #tpu.memory_space<vmem>>) target_semaphore(%arg12 : memref<!tpu.dma_semaphore, #tpu.memory_space<semaphore_mem>>)
    %dma_start3A_6 = arith.constant 0 : i32
    %dma_start3A_7 = tpu.memref_slice %arg4[%dma_start3A_6] : memref<320000xi32, #tpu.memory_space<hbm>> -> memref<4000xi32, #tpu.memory_space<hbm>>
    %dma_start3A_8 = arith.constant 0 : i32
    %dma_start3A_9 = tpu.memref_slice %arg4[%dma_start3A_8] : memref<320000xi32, #tpu.memory_space<hbm>> -> memref<4000xi32, #tpu.memory_space<hbm>>
    tpu.enqueue_dma source(%dma_start3A_9 : memref<4000xi32, #tpu.memory_space<hbm>>) target(%arg9 : memref<4000xi32, #tpu.memory_space<vmem>>) target_semaphore(%arg13 : memref<!tpu.dma_semaphore, #tpu.memory_space<semaphore_mem>>)
    %dma_start3A_10 = arith.constant 4000 : i32
    %dma_start3A_11 = tpu.memref_slice %arg3[%dma_start3A_10] : memref<320000xi32, #tpu.memory_space<hbm>> -> memref<4000xi32, #tpu.memory_space<hbm>>
    %dma_start3A_12 = arith.constant 4000 : i32
    %dma_start3A_13 = tpu.memref_slice %arg3[%dma_start3A_12] : memref<320000xi32, #tpu.memory_space<hbm>> -> memref<4000xi32, #tpu.memory_space<hbm>>
    tpu.enqueue_dma source(%dma_start3A_13 : memref<4000xi32, #tpu.memory_space<hbm>>) target(%arg10 : memref<4000xi32, #tpu.memory_space<vmem>>) target_semaphore(%arg14 : memref<!tpu.dma_semaphore, #tpu.memory_space<semaphore_mem>>)
    %dma_start3A_14 = arith.constant 4000 : i32
    %dma_start3A_15 = tpu.memref_slice %arg4[%dma_start3A_14] : memref<320000xi32, #tpu.memory_space<hbm>> -> memref<4000xi32, #tpu.memory_space<hbm>>
    %dma_start3A_16 = arith.constant 4000 : i32
    %dma_start3A_17 = tpu.memref_slice %arg4[%dma_start3A_16] : memref<320000xi32, #tpu.memory_space<hbm>> -> memref<4000xi32, #tpu.memory_space<hbm>>
    tpu.enqueue_dma source(%dma_start3A_17 : memref<4000xi32, #tpu.memory_space<hbm>>) target(%arg11 : memref<4000xi32, #tpu.memory_space<vmem>>) target_semaphore(%arg15 : memref<!tpu.dma_semaphore, #tpu.memory_space<semaphore_mem>>)
    %mul3A_18 = arith.constant 10000 : i32
    %mul3A_19 = arith.muli %mul3A_2, %mul3A_18 : i32
    "tpu.region"() ({
      %run_scoped3A = tpu.sem_alloc : memref<!tpu.dma_semaphore, #tpu.memory_space<semaphore_mem>>
      %dma_start3A_63 = tpu.memref_slice %arg2[%mul3A_19] : memref<1280000xf32, #tpu.memory_space<hbm>> -> memref<40000xf32, #tpu.memory_space<hbm>>
      %dma_start3A_64 = tpu.memref_slice %arg2[%mul3A_19] : memref<1280000xf32, #tpu.memory_space<hbm>> -> memref<40000xf32, #tpu.memory_space<hbm>>
      tpu.enqueue_dma source(%dma_start3A_64 : memref<40000xf32, #tpu.memory_space<hbm>>) target(%arg6 : memref<40000xf32, #tpu.memory_space<vmem>>) target_semaphore(%run_scoped3A : memref<!tpu.dma_semaphore, #tpu.memory_space<semaphore_mem>>)
      %dma_wait3A = tpu.memref_slice %arg2[%mul3A_19] : memref<1280000xf32, #tpu.memory_space<hbm>> -> memref<40000xf32, #tpu.memory_space<hbm>>
      %dma_wait3A_65 = tpu.memref_slice %arg2[%mul3A_19] : memref<1280000xf32, #tpu.memory_space<hbm>> -> memref<40000xf32, #tpu.memory_space<hbm>>
      tpu.wait_dma2 semaphore(%run_scoped3A : memref<!tpu.dma_semaphore, #tpu.memory_space<semaphore_mem>>) src(%dma_wait3A_65 : memref<40000xf32, #tpu.memory_space<hbm>>) dst(%arg6 : memref<40000xf32, #tpu.memory_space<vmem>>)
      tpu.yield
    }) : () -> ()
    %broadcast_in_dim3A = arith.constant 0.000000e+00 : f32
    %broadcast_in_dim3A_20 = vector.broadcast %broadcast_in_dim3A : f32 to vector<16xf32>
    %scan3A = arith.constant 0 : i32
    %scan3A_21 = arith.constant 0 : i32
    %scan3A_22 = arith.constant 2496 : i32
    %scan3A_23 = arith.addi %scan3A_21, %scan3A_22 : i32
    %scan3A_24 = arith.constant 8 : i32
    %scan3A_25 = scf.for %scan3A_63 = %scan3A_21 to %scan3A_23 step %scan3A_24 iter_args(%scan3A_64 = %scan3A) -> (i32)  : i32 {
      %mul3A_65 = arith.constant 16 : i32
      %mul3A_66 = arith.muli %scan3A_63, %mul3A_65 : i32
      %swap3A_67 = arith.index_cast %mul3A_66 : i32 to index
      %swap3A_68 = tpu.vector_load %arg7[%swap3A_67] {strides = array<i32>} : memref<40000xf32, #tpu.memory_space<vmem>>, vector<16xf32>,
      tpu.vector_store %arg7[%swap3A_67], %broadcast_in_dim3A_20 {strides = array<i32>} : memref<40000xf32, #tpu.memory_space<vmem>>, vector<16xf32>,
      %scan3A_69 = arith.constant 0 : i32
      %scan3A_70 = arith.constant 1 : i32
      %scan3A_71 = arith.addi %scan3A_63, %scan3A_70 : i32
      %mul3A_72 = arith.constant 16 : i32
      %mul3A_73 = arith.muli %scan3A_71, %mul3A_72 : i32
      %swap3A_74 = arith.index_cast %mul3A_73 : i32 to index
      %swap3A_75 = tpu.vector_load %arg7[%swap3A_74] {strides = array<i32>} : memref<40000xf32, #tpu.memory_space<vmem>>, vector<16xf32>,
      tpu.vector_store %arg7[%swap3A_74], %broadcast_in_dim3A_20 {strides = array<i32>} : memref<40000xf32, #tpu.memory_space<vmem>>, vector<16xf32>,
      %scan3A_76 = arith.constant 0 : i32
      %scan3A_77 = arith.constant 2 : i32
      %scan3A_78 = arith.addi %scan3A_63, %scan3A_77 : i32
      %mul3A_79 = arith.constant 16 : i32
      %mul3A_80 = arith.muli %scan3A_78, %mul3A_79 : i32
      %swap3A_81 = arith.index_cast %mul3A_80 : i32 to index
      %swap3A_82 = tpu.vector_load %arg7[%swap3A_81] {strides = array<i32>} : memref<40000xf32, #tpu.memory_space<vmem>>, vector<16xf32>,
      tpu.vector_store %arg7[%swap3A_81], %broadcast_in_dim3A_20 {strides = array<i32>} : memref<40000xf32, #tpu.memory_space<vmem>>, vector<16xf32>,
      %scan3A_83 = arith.constant 0 : i32
      %scan3A_84 = arith.constant 3 : i32
      %scan3A_85 = arith.addi %scan3A_63, %scan3A_84 : i32
      %mul3A_86 = arith.constant 16 : i32
      %mul3A_87 = arith.muli %scan3A_85, %mul3A_86 : i32
      %swap3A_88 = arith.index_cast %mul3A_87 : i32 to index
      %swap3A_89 = tpu.vector_load %arg7[%swap3A_88] {strides = array<i32>} : memref<40000xf32, #tpu.memory_space<vmem>>, vector<16xf32>,
      tpu.vector_store %arg7[%swap3A_88], %broadcast_in_dim3A_20 {strides = array<i32>} : memref<40000xf32, #tpu.memory_space<vmem>>, vector<16xf32>,
      %scan3A_90 = arith.constant 0 : i32
      %scan3A_91 = arith.constant 4 : i32
      %scan3A_92 = arith.addi %scan3A_63, %scan3A_91 : i32
      %mul3A_93 = arith.constant 16 : i32
      %mul3A_94 = arith.muli %scan3A_92, %mul3A_93 : i32
      %swap3A_95 = arith.index_cast %mul3A_94 : i32 to index
      %swap3A_96 = tpu.vector_load %arg7[%swap3A_95] {strides = array<i32>} : memref<40000xf32, #tpu.memory_space<vmem>>, vector<16xf32>,
      tpu.vector_store %arg7[%swap3A_95], %broadcast_in_dim3A_20 {strides = array<i32>} : memref<40000xf32, #tpu.memory_space<vmem>>, vector<16xf32>,
      %scan3A_97 = arith.constant 0 : i32
      %scan3A_98 = arith.constant 5 : i32
      %scan3A_99 = arith.addi %scan3A_63, %scan3A_98 : i32
      %mul3A_100 = arith.constant 16 : i32
      %mul3A_101 = arith.muli %scan3A_99, %mul3A_100 : i32
      %swap3A_102 = arith.index_cast %mul3A_101 : i32 to index
      %swap3A_103 = tpu.vector_load %arg7[%swap3A_102] {strides = array<i32>} : memref<40000xf32, #tpu.memory_space<vmem>>, vector<16xf32>,
      tpu.vector_store %arg7[%swap3A_102], %broadcast_in_dim3A_20 {strides = array<i32>} : memref<40000xf32, #tpu.memory_space<vmem>>, vector<16xf32>,
      %scan3A_104 = arith.constant 0 : i32
      %scan3A_105 = arith.constant 6 : i32
      %scan3A_106 = arith.addi %scan3A_63, %scan3A_105 : i32
      %mul3A_107 = arith.constant 16 : i32
      %mul3A_108 = arith.muli %scan3A_106, %mul3A_107 : i32
      %swap3A_109 = arith.index_cast %mul3A_108 : i32 to index
      %swap3A_110 = tpu.vector_load %arg7[%swap3A_109] {strides = array<i32>} : memref<40000xf32, #tpu.memory_space<vmem>>, vector<16xf32>,
      tpu.vector_store %arg7[%swap3A_109], %broadcast_in_dim3A_20 {strides = array<i32>} : memref<40000xf32, #tpu.memory_space<vmem>>, vector<16xf32>,
      %scan3A_111 = arith.constant 0 : i32
      %scan3A_112 = arith.constant 7 : i32
      %scan3A_113 = arith.addi %scan3A_63, %scan3A_112 : i32
      %mul3A_114 = arith.constant 16 : i32
      %mul3A_115 = arith.muli %scan3A_113, %mul3A_114 : i32
      %swap3A_116 = arith.index_cast %mul3A_115 : i32 to index
      %swap3A_117 = tpu.vector_load %arg7[%swap3A_116] {strides = array<i32>} : memref<40000xf32, #tpu.memory_space<vmem>>, vector<16xf32>,
      tpu.vector_store %arg7[%swap3A_116], %broadcast_in_dim3A_20 {strides = array<i32>} : memref<40000xf32, #tpu.memory_space<vmem>>, vector<16xf32>,
      %scan3A_118 = arith.constant 0 : i32
      scf.yield %scan3A_118 : i32
    }
    %scan3A_26 = arith.constant 2496 : i32
    %scan3A_27 = arith.addi %scan3A_21, %scan3A_26 : i32
    %mul3A_28 = arith.constant 16 : i32
    %mul3A_29 = arith.muli %scan3A_27, %mul3A_28 : i32
    %swap3A = arith.index_cast %mul3A_29 : i32 to index
    %swap3A_30 = tpu.vector_load %arg7[%swap3A] {strides = array<i32>} : memref<40000xf32, #tpu.memory_space<vmem>>, vector<16xf32>,
    tpu.vector_store %arg7[%swap3A], %broadcast_in_dim3A_20 {strides = array<i32>} : memref<40000xf32, #tpu.memory_space<vmem>>, vector<16xf32>,
    %scan3A_31 = arith.constant 0 : i32
    %scan3A_32 = arith.constant 2497 : i32
    %scan3A_33 = arith.addi %scan3A_21, %scan3A_32 : i32
    %mul3A_34 = arith.constant 16 : i32
    %mul3A_35 = arith.muli %scan3A_33, %mul3A_34 : i32
    %swap3A_36 = arith.index_cast %mul3A_35 : i32 to index
    %swap3A_37 = tpu.vector_load %arg7[%swap3A_36] {strides = array<i32>} : memref<40000xf32, #tpu.memory_space<vmem>>, vector<16xf32>,
    tpu.vector_store %arg7[%swap3A_36], %broadcast_in_dim3A_20 {strides = array<i32>} : memref<40000xf32, #tpu.memory_space<vmem>>, vector<16xf32>,
    %scan3A_38 = arith.constant 0 : i32
    %scan3A_39 = arith.constant 2498 : i32
    %scan3A_40 = arith.addi %scan3A_21, %scan3A_39 : i32
    %mul3A_41 = arith.constant 16 : i32
    %mul3A_42 = arith.muli %scan3A_40, %mul3A_41 : i32
    %swap3A_43 = arith.index_cast %mul3A_42 : i32 to index
    %swap3A_44 = tpu.vector_load %arg7[%swap3A_43] {strides = array<i32>} : memref<40000xf32, #tpu.memory_space<vmem>>, vector<16xf32>,
    tpu.vector_store %arg7[%swap3A_43], %broadcast_in_dim3A_20 {strides = array<i32>} : memref<40000xf32, #tpu.memory_space<vmem>>, vector<16xf32>,
    %scan3A_45 = arith.constant 0 : i32
    %scan3A_46 = arith.constant 2499 : i32
    %scan3A_47 = arith.addi %scan3A_21, %scan3A_46 : i32
    %mul3A_48 = arith.constant 16 : i32
    %mul3A_49 = arith.muli %scan3A_47, %mul3A_48 : i32
    %swap3A_50 = arith.index_cast %mul3A_49 : i32 to index
    %swap3A_51 = tpu.vector_load %arg7[%swap3A_50] {strides = array<i32>} : memref<40000xf32, #tpu.memory_space<vmem>>, vector<16xf32>,
    tpu.vector_store %arg7[%swap3A_50], %broadcast_in_dim3A_20 {strides = array<i32>} : memref<40000xf32, #tpu.memory_space<vmem>>, vector<16xf32>,
    %scan3A_52 = arith.constant 0 : i32
    %scan3A_53 = arith.constant 2500 : i32
    %scan3A_54 = arith.constant 0 : i32
    %scan3A_55 = arith.constant 0 : i32
    %scan3A_56 = arith.constant 40 : i32
    %scan3A_57 = arith.addi %scan3A_55, %scan3A_56 : i32
    %scan3A_58 = arith.constant 1 : i32
    %scan3A_59 = scf.for %scan3A_63 = %scan3A_55 to %scan3A_57 step %scan3A_58 iter_args(%scan3A_64 = %scan3A_54) -> (i32)  : i32 {
      %mul3A_65 = arith.constant 2 : i32
      %mul3A_66 = arith.muli %scan3A_63, %mul3A_65 : i32
      %add3A_67 = arith.constant 0 : i32
      %add3A_68 = arith.addi %mul3A_66, %add3A_67 : i32
      %dma_wait3A = arith.constant 0 : i32
      %dma_wait3A_69 = tpu.memref_slice %arg3[%dma_wait3A] : memref<320000xi32, #tpu.memory_space<hbm>> -> memref<4000xi32, #tpu.memory_space<hbm>>
      %dma_wait3A_70 = arith.constant 0 : i32
      %dma_wait3A_71 = tpu.memref_slice %arg3[%dma_wait3A_70] : memref<320000xi32, #tpu.memory_space<hbm>> -> memref<4000xi32, #tpu.memory_space<hbm>>
      tpu.wait_dma2 semaphore(%arg12 : memref<!tpu.dma_semaphore, #tpu.memory_space<semaphore_mem>>) src(%dma_wait3A_71 : memref<4000xi32, #tpu.memory_space<hbm>>) dst(%arg8 : memref<4000xi32, #tpu.memory_space<vmem>>)
      %dma_wait3A_72 = arith.constant 0 : i32
      %dma_wait3A_73 = tpu.memref_slice %arg4[%dma_wait3A_72] : memref<320000xi32, #tpu.memory_space<hbm>> -> memref<4000xi32, #tpu.memory_space<hbm>>
      %dma_wait3A_74 = arith.constant 0 : i32
      %dma_wait3A_75 = tpu.memref_slice %arg4[%dma_wait3A_74] : memref<320000xi32, #tpu.memory_space<hbm>> -> memref<4000xi32, #tpu.memory_space<hbm>>
      tpu.wait_dma2 semaphore(%arg13 : memref<!tpu.dma_semaphore, #tpu.memory_space<semaphore_mem>>) src(%dma_wait3A_75 : memref<4000xi32, #tpu.memory_space<hbm>>) dst(%arg9 : memref<4000xi32, #tpu.memory_space<vmem>>)
      %parallel_loop3A = arith.constant 0 : i32
      %parallel_loop3A_76 = arith.constant 250 : i32
      %parallel_loop3A_77 = arith.constant 1 : i32
      scf.for %parallel_loop3A_105 = %parallel_loop3A to %parallel_loop3A_76 step %parallel_loop3A_77  : i32 {
        %parallel_loop3A_106 = arith.constant 16 : i32
        %parallel_loop3A_107 = arith.muli %parallel_loop3A_105, %parallel_loop3A_106 : i32
        %parallel_loop3A_108 = arith.index_cast %parallel_loop3A_107 : i32 to index
        %parallel_loop3A_109 = tpu.vector_load %arg8[%parallel_loop3A_108] {strides = array<i32>} : memref<4000xi32, #tpu.memory_space<vmem>>, vector<16xi32>,
        %parallel_loop3A_110 = arith.constant 16 : i32
        %parallel_loop3A_111 = arith.muli %parallel_loop3A_105, %parallel_loop3A_110 : i32
        %parallel_loop3A_112 = arith.index_cast %parallel_loop3A_111 : i32 to index
        %parallel_loop3A_113 = tpu.vector_load %arg9[%parallel_loop3A_112] {strides = array<i32>} : memref<4000xi32, #tpu.memory_space<vmem>>, vector<16xi32>,
        %parallel_loop3A_114 = arith.constant 0 : i32
        %parallel_loop3A_115 = vector.broadcast %parallel_loop3A_114 : i32 to vector<16xi32>
        %parallel_loop3A_116 = arith.addi %parallel_loop3A_109, %parallel_loop3A_115 : vector<16xi32>
        %parallel_loop3A_117 = tpu.vector_load_idx %arg6[%parallel_loop3A_116] : memref<40000xf32, #tpu.memory_space<vmem>>[vector<16xi32>], vector<16xf32>,
        %parallel_loop3A_118 = arith.constant 0 : i32
        %parallel_loop3A_119 = vector.broadcast %parallel_loop3A_118 : i32 to vector<16xi32>
        %parallel_loop3A_120 = arith.addi %parallel_loop3A_113, %parallel_loop3A_119 : vector<16xi32>
        tpu.vector_store_idx %arg7[%parallel_loop3A_120], %parallel_loop3A_117 {add = true} : memref<40000xf32, #tpu.memory_space<vmem>>[vector<16xi32>], vector<16xf32>,
        %parallel_loop3A_121 = arith.constant 10000 : i32
        %parallel_loop3A_122 = vector.broadcast %parallel_loop3A_121 : i32 to vector<16xi32>
        %parallel_loop3A_123 = arith.addi %parallel_loop3A_109, %parallel_loop3A_122 : vector<16xi32>
        %parallel_loop3A_124 = tpu.vector_load_idx %arg6[%parallel_loop3A_123] : memref<40000xf32, #tpu.memory_space<vmem>>[vector<16xi32>], vector<16xf32>,
        %parallel_loop3A_125 = arith.constant 10000 : i32
        %parallel_loop3A_126 = vector.broadcast %parallel_loop3A_125 : i32 to vector<16xi32>
        %parallel_loop3A_127 = arith.addi %parallel_loop3A_113, %parallel_loop3A_126 : vector<16xi32>
        tpu.vector_store_idx %arg7[%parallel_loop3A_127], %parallel_loop3A_124 {add = true} : memref<40000xf32, #tpu.memory_space<vmem>>[vector<16xi32>], vector<16xf32>,
        %parallel_loop3A_128 = arith.constant 20000 : i32
        %parallel_loop3A_129 = vector.broadcast %parallel_loop3A_128 : i32 to vector<16xi32>
        %parallel_loop3A_130 = arith.addi %parallel_loop3A_109, %parallel_loop3A_129 : vector<16xi32>
        %parallel_loop3A_131 = tpu.vector_load_idx %arg6[%parallel_loop3A_130] : memref<40000xf32, #tpu.memory_space<vmem>>[vector<16xi32>], vector<16xf32>,
        %parallel_loop3A_132 = arith.constant 20000 : i32
        %parallel_loop3A_133 = vector.broadcast %parallel_loop3A_132 : i32 to vector<16xi32>
        %parallel_loop3A_134 = arith.addi %parallel_loop3A_113, %parallel_loop3A_133 : vector<16xi32>
        tpu.vector_store_idx %arg7[%parallel_loop3A_134], %parallel_loop3A_131 {add = true} : memref<40000xf32, #tpu.memory_space<vmem>>[vector<16xi32>], vector<16xf32>,
        %parallel_loop3A_135 = arith.constant 30000 : i32
        %parallel_loop3A_136 = vector.broadcast %parallel_loop3A_135 : i32 to vector<16xi32>
        %parallel_loop3A_137 = arith.addi %parallel_loop3A_109, %parallel_loop3A_136 : vector<16xi32>
        %parallel_loop3A_138 = tpu.vector_load_idx %arg6[%parallel_loop3A_137] : memref<40000xf32, #tpu.memory_space<vmem>>[vector<16xi32>], vector<16xf32>,
        %parallel_loop3A_139 = arith.constant 30000 : i32
        %parallel_loop3A_140 = vector.broadcast %parallel_loop3A_139 : i32 to vector<16xi32>
        %parallel_loop3A_141 = arith.addi %parallel_loop3A_113, %parallel_loop3A_140 : vector<16xi32>
        tpu.vector_store_idx %arg7[%parallel_loop3A_141], %parallel_loop3A_138 {add = true} : memref<40000xf32, #tpu.memory_space<vmem>>[vector<16xi32>], vector<16xf32>,
      } {sc.loop_unroll_factor = 1 : i64, sc.parallel_access}
      %add3A_78 = arith.constant 2 : i32
      %add3A_79 = arith.addi %add3A_68, %add3A_78 : i32
      %lt3A = arith.constant 80 : i32
      %lt3A_80 = arith.cmpi slt, %add3A_79, %lt3A : i32
      %convert_element_type3A = arith.extui %lt3A_80 : i1 to i32
      %cond3A = arith.constant 0 : i32
      %cond3A_81 = arith.cmpi ne, %convert_element_type3A, %cond3A : i32
      scf.if %cond3A_81 {
        %add3A_105 = arith.constant 2 : i32
        %add3A_106 = arith.addi %add3A_68, %add3A_105 : i32
        %mul3A_107 = arith.constant 4000 : i32
        %mul3A_108 = arith.muli %add3A_106, %mul3A_107 : i32
        %dma_start3A_109 = tpu.memref_slice %arg3[%mul3A_108] : memref<320000xi32, #tpu.memory_space<hbm>> -> memref<4000xi32, #tpu.memory_space<hbm>>
        %dma_start3A_110 = tpu.memref_slice %arg3[%mul3A_108] : memref<320000xi32, #tpu.memory_space<hbm>> -> memref<4000xi32, #tpu.memory_space<hbm>>
        tpu.enqueue_dma source(%dma_start3A_110 : memref<4000xi32, #tpu.memory_space<hbm>>) target(%arg8 : memref<4000xi32, #tpu.memory_space<vmem>>) target_semaphore(%arg12 : memref<!tpu.dma_semaphore, #tpu.memory_space<semaphore_mem>>)
        %dma_start3A_111 = tpu.memref_slice %arg4[%mul3A_108] : memref<320000xi32, #tpu.memory_space<hbm>> -> memref<4000xi32, #tpu.memory_space<hbm>>
        %dma_start3A_112 = tpu.memref_slice %arg4[%mul3A_108] : memref<320000xi32, #tpu.memory_space<hbm>> -> memref<4000xi32, #tpu.memory_space<hbm>>
        tpu.enqueue_dma source(%dma_start3A_112 : memref<4000xi32, #tpu.memory_space<hbm>>) target(%arg9 : memref<4000xi32, #tpu.memory_space<vmem>>) target_semaphore(%arg13 : memref<!tpu.dma_semaphore, #tpu.memory_space<semaphore_mem>>)
      } else {
      }
      %mul3A_82 = arith.constant 2 : i32
      %mul3A_83 = arith.muli %scan3A_63, %mul3A_82 : i32
      %add3A_84 = arith.constant 1 : i32
      %add3A_85 = arith.addi %mul3A_83, %add3A_84 : i32
      %dma_wait3A_86 = arith.constant 0 : i32
      %dma_wait3A_87 = tpu.memref_slice %arg3[%dma_wait3A_86] : memref<320000xi32, #tpu.memory_space<hbm>> -> memref<4000xi32, #tpu.memory_space<hbm>>
      %dma_wait3A_88 = arith.constant 0 : i32
      %dma_wait3A_89 = tpu.memref_slice %arg3[%dma_wait3A_88] : memref<320000xi32, #tpu.memory_space<hbm>> -> memref<4000xi32, #tpu.memory_space<hbm>>
      tpu.wait_dma2 semaphore(%arg14 : memref<!tpu.dma_semaphore, #tpu.memory_space<semaphore_mem>>) src(%dma_wait3A_89 : memref<4000xi32, #tpu.memory_space<hbm>>) dst(%arg10 : memref<4000xi32, #tpu.memory_space<vmem>>)
      %dma_wait3A_90 = arith.constant 0 : i32
      %dma_wait3A_91 = tpu.memref_slice %arg4[%dma_wait3A_90] : memref<320000xi32, #tpu.memory_space<hbm>> -> memref<4000xi32, #tpu.memory_space<hbm>>
      %dma_wait3A_92 = arith.constant 0 : i32
      %dma_wait3A_93 = tpu.memref_slice %arg4[%dma_wait3A_92] : memref<320000xi32, #tpu.memory_space<hbm>> -> memref<4000xi32, #tpu.memory_space<hbm>>
      tpu.wait_dma2 semaphore(%arg15 : memref<!tpu.dma_semaphore, #tpu.memory_space<semaphore_mem>>) src(%dma_wait3A_93 : memref<4000xi32, #tpu.memory_space<hbm>>) dst(%arg11 : memref<4000xi32, #tpu.memory_space<vmem>>)
      %parallel_loop3A_94 = arith.constant 0 : i32
      %parallel_loop3A_95 = arith.constant 250 : i32
      %parallel_loop3A_96 = arith.constant 1 : i32
      scf.for %parallel_loop3A_105 = %parallel_loop3A_94 to %parallel_loop3A_95 step %parallel_loop3A_96  : i32 {
        %parallel_loop3A_106 = arith.constant 16 : i32
        %parallel_loop3A_107 = arith.muli %parallel_loop3A_105, %parallel_loop3A_106 : i32
        %parallel_loop3A_108 = arith.index_cast %parallel_loop3A_107 : i32 to index
        %parallel_loop3A_109 = tpu.vector_load %arg10[%parallel_loop3A_108] {strides = array<i32>} : memref<4000xi32, #tpu.memory_space<vmem>>, vector<16xi32>,
        %parallel_loop3A_110 = arith.constant 16 : i32
        %parallel_loop3A_111 = arith.muli %parallel_loop3A_105, %parallel_loop3A_110 : i32
        %parallel_loop3A_112 = arith.index_cast %parallel_loop3A_111 : i32 to index
        %parallel_loop3A_113 = tpu.vector_load %arg11[%parallel_loop3A_112] {strides = array<i32>} : memref<4000xi32, #tpu.memory_space<vmem>>, vector<16xi32>,
        %parallel_loop3A_114 = arith.constant 0 : i32
        %parallel_loop3A_115 = vector.broadcast %parallel_loop3A_114 : i32 to vector<16xi32>
        %parallel_loop3A_116 = arith.addi %parallel_loop3A_109, %parallel_loop3A_115 : vector<16xi32>
        %parallel_loop3A_117 = tpu.vector_load_idx %arg6[%parallel_loop3A_116] : memref<40000xf32, #tpu.memory_space<vmem>>[vector<16xi32>], vector<16xf32>,
        %parallel_loop3A_118 = arith.constant 0 : i32
        %parallel_loop3A_119 = vector.broadcast %parallel_loop3A_118 : i32 to vector<16xi32>
        %parallel_loop3A_120 = arith.addi %parallel_loop3A_113, %parallel_loop3A_119 : vector<16xi32>
        tpu.vector_store_idx %arg7[%parallel_loop3A_120], %parallel_loop3A_117 {add = true} : memref<40000xf32, #tpu.memory_space<vmem>>[vector<16xi32>], vector<16xf32>,
        %parallel_loop3A_121 = arith.constant 10000 : i32
        %parallel_loop3A_122 = vector.broadcast %parallel_loop3A_121 : i32 to vector<16xi32>
        %parallel_loop3A_123 = arith.addi %parallel_loop3A_109, %parallel_loop3A_122 : vector<16xi32>
        %parallel_loop3A_124 = tpu.vector_load_idx %arg6[%parallel_loop3A_123] : memref<40000xf32, #tpu.memory_space<vmem>>[vector<16xi32>], vector<16xf32>,
        %parallel_loop3A_125 = arith.constant 10000 : i32
        %parallel_loop3A_126 = vector.broadcast %parallel_loop3A_125 : i32 to vector<16xi32>
        %parallel_loop3A_127 = arith.addi %parallel_loop3A_113, %parallel_loop3A_126 : vector<16xi32>
        tpu.vector_store_idx %arg7[%parallel_loop3A_127], %parallel_loop3A_124 {add = true} : memref<40000xf32, #tpu.memory_space<vmem>>[vector<16xi32>], vector<16xf32>,
        %parallel_loop3A_128 = arith.constant 20000 : i32
        %parallel_loop3A_129 = vector.broadcast %parallel_loop3A_128 : i32 to vector<16xi32>
        %parallel_loop3A_130 = arith.addi %parallel_loop3A_109, %parallel_loop3A_129 : vector<16xi32>
        %parallel_loop3A_131 = tpu.vector_load_idx %arg6[%parallel_loop3A_130] : memref<40000xf32, #tpu.memory_space<vmem>>[vector<16xi32>], vector<16xf32>,
        %parallel_loop3A_132 = arith.constant 20000 : i32
        %parallel_loop3A_133 = vector.broadcast %parallel_loop3A_132 : i32 to vector<16xi32>
        %parallel_loop3A_134 = arith.addi %parallel_loop3A_113, %parallel_loop3A_133 : vector<16xi32>
        tpu.vector_store_idx %arg7[%parallel_loop3A_134], %parallel_loop3A_131 {add = true} : memref<40000xf32, #tpu.memory_space<vmem>>[vector<16xi32>], vector<16xf32>,
        %parallel_loop3A_135 = arith.constant 30000 : i32
        %parallel_loop3A_136 = vector.broadcast %parallel_loop3A_135 : i32 to vector<16xi32>
        %parallel_loop3A_137 = arith.addi %parallel_loop3A_109, %parallel_loop3A_136 : vector<16xi32>
        %parallel_loop3A_138 = tpu.vector_load_idx %arg6[%parallel_loop3A_137] : memref<40000xf32, #tpu.memory_space<vmem>>[vector<16xi32>], vector<16xf32>,
        %parallel_loop3A_139 = arith.constant 30000 : i32
        %parallel_loop3A_140 = vector.broadcast %parallel_loop3A_139 : i32 to vector<16xi32>
        %parallel_loop3A_141 = arith.addi %parallel_loop3A_113, %parallel_loop3A_140 : vector<16xi32>
        tpu.vector_store_idx %arg7[%parallel_loop3A_141], %parallel_loop3A_138 {add = true} : memref<40000xf32, #tpu.memory_space<vmem>>[vector<16xi32>], vector<16xf32>,
      } {sc.loop_unroll_factor = 1 : i64, sc.parallel_access}
      %add3A_97 = arith.constant 2 : i32
      %add3A_98 = arith.addi %add3A_85, %add3A_97 : i32
      %lt3A_99 = arith.constant 80 : i32
      %lt3A_100 = arith.cmpi slt, %add3A_98, %lt3A_99 : i32
      %convert_element_type3A_101 = arith.extui %lt3A_100 : i1 to i32
      %cond3A_102 = arith.constant 0 : i32
      %cond3A_103 = arith.cmpi ne, %convert_element_type3A_101, %cond3A_102 : i32
      scf.if %cond3A_103 {
        %add3A_105 = arith.constant 2 : i32
        %add3A_106 = arith.addi %add3A_85, %add3A_105 : i32
        %mul3A_107 = arith.constant 4000 : i32
        %mul3A_108 = arith.muli %add3A_106, %mul3A_107 : i32
        %dma_start3A_109 = tpu.memref_slice %arg3[%mul3A_108] : memref<320000xi32, #tpu.memory_space<hbm>> -> memref<4000xi32, #tpu.memory_space<hbm>>
        %dma_start3A_110 = tpu.memref_slice %arg3[%mul3A_108] : memref<320000xi32, #tpu.memory_space<hbm>> -> memref<4000xi32, #tpu.memory_space<hbm>>
        tpu.enqueue_dma source(%dma_start3A_110 : memref<4000xi32, #tpu.memory_space<hbm>>) target(%arg10 : memref<4000xi32, #tpu.memory_space<vmem>>) target_semaphore(%arg14 : memref<!tpu.dma_semaphore, #tpu.memory_space<semaphore_mem>>)
        %dma_start3A_111 = tpu.memref_slice %arg4[%mul3A_108] : memref<320000xi32, #tpu.memory_space<hbm>> -> memref<4000xi32, #tpu.memory_space<hbm>>
        %dma_start3A_112 = tpu.memref_slice %arg4[%mul3A_108] : memref<320000xi32, #tpu.memory_space<hbm>> -> memref<4000xi32, #tpu.memory_space<hbm>>
        tpu.enqueue_dma source(%dma_start3A_112 : memref<4000xi32, #tpu.memory_space<hbm>>) target(%arg11 : memref<4000xi32, #tpu.memory_space<vmem>>) target_semaphore(%arg15 : memref<!tpu.dma_semaphore, #tpu.memory_space<semaphore_mem>>)
      } else {
      }
      %scan3A_104 = arith.constant 0 : i32
      scf.yield %scan3A_104 : i32
    }
    %scan3A_60 = arith.constant 40 : i32
    %mul3A_61 = arith.constant 10000 : i32
    %mul3A_62 = arith.muli %mul3A_2, %mul3A_61 : i32
    "tpu.region"() ({
      %run_scoped3A = tpu.sem_alloc : memref<!tpu.dma_semaphore, #tpu.memory_space<semaphore_mem>>
      %dma_start3A_63 = tpu.memref_slice %arg5[%mul3A_62] : memref<1280000xf32, #tpu.memory_space<hbm>> -> memref<40000xf32, #tpu.memory_space<hbm>>
      %dma_start3A_64 = tpu.memref_slice %arg5[%mul3A_62] : memref<1280000xf32, #tpu.memory_space<hbm>> -> memref<40000xf32, #tpu.memory_space<hbm>>
      tpu.enqueue_dma source(%arg7 : memref<40000xf32, #tpu.memory_space<vmem>>) target(%dma_start3A_64 : memref<40000xf32, #tpu.memory_space<hbm>>) target_semaphore(%run_scoped3A : memref<!tpu.dma_semaphore, #tpu.memory_space<semaphore_mem>>)
      %dma_wait3A = tpu.memref_slice %arg5[%mul3A_62] : memref<1280000xf32, #tpu.memory_space<hbm>> -> memref<40000xf32, #tpu.memory_space<hbm>>
      %dma_wait3A_65 = tpu.memref_slice %arg5[%mul3A_62] : memref<1280000xf32, #tpu.memory_space<hbm>> -> memref<40000xf32, #tpu.memory_space<hbm>>
      tpu.wait_dma2 semaphore(%run_scoped3A : memref<!tpu.dma_semaphore, #tpu.memory_space<semaphore_mem>>) src(%arg7 : memref<40000xf32, #tpu.memory_space<vmem>>) dst(%dma_wait3A_65 : memref<40000xf32, #tpu.memory_space<hbm>>)
      tpu.yield
    }) : () -> ()
    return
  }
}

module attributes {stable_mosaic.version = 14 : i64} {
  func.func @_probs_body(%arg0: memref<10000x128xf32, #tpu.memory_space<vmem>>, %arg1: memref<128x128xf32, #tpu.memory_space<vmem>>, %arg2: memref<1x128xf32, #tpu.memory_space<vmem>>, %arg3: memref<128x64xf32, #tpu.memory_space<vmem>>, %arg4: memref<1x64xf32, #tpu.memory_space<vmem>>, %arg5: memref<128x128xf32, #tpu.memory_space<vmem>>, %arg6: memref<1x128xf32, #tpu.memory_space<vmem>>, %arg7: memref<10000x64xf32, #tpu.memory_space<vmem>>, %arg8: memref<10000x128xf32, #tpu.memory_space<vmem>>) attributes {dimension_semantics = [], scalar_prefetch = 0 : i64, scratch_operands = 0 : i64, tpu.core_type = #tpu.core_type<tc>} {
    %get3A = arith.constant 0 : index
    %get3A_0 = arith.constant 0 : index
    %get3A_1 = vector.load %arg0[%get3A, %get3A_0] : memref<10000x128xf32, #tpu.memory_space<vmem>>, vector<10000x128xf32>
    %get3A_2 = arith.constant 0 : index
    %get3A_3 = arith.constant 0 : index
    %get3A_4 = vector.load %arg1[%get3A_2, %get3A_3] : memref<128x128xf32, #tpu.memory_space<vmem>>, vector<128x128xf32>
    %dot_general3A = arith.constant dense<0.000000e+00> : vector<10000x128xf32>
    %dot_general3A_5 = tpu.matmul %get3A_1, %get3A_4, %dot_general3A {dimension_numbers = #tpu.dot_dimension_numbers<[1], [0], [0], [1], [0, 0, 1, 1], [], []>, transpose_lhs_hint = false} : vector<10000x128xf32>, vector<128x128xf32>, vector<10000x128xf32> -> vector<10000x128xf32>
    %get3A_6 = arith.constant 0 : index
    %get3A_7 = arith.constant 0 : index
    %get3A_8 = vector.load %arg2[%get3A_6, %get3A_7] : memref<1x128xf32, #tpu.memory_space<vmem>>, vector<1x128xf32>
    %add3A = vector.broadcast %get3A_8 : vector<1x128xf32> to vector<10000x128xf32>
    %add3A_9 = arith.addf %dot_general3A_5, %add3A : vector<10000x128xf32>
    %max3A = arith.constant 0.000000e+00 : f32
    %max3A_10 = vector.broadcast %max3A : f32 to vector<10000x128xf32>
    %max3A_11 = arith.maximumf %add3A_9, %max3A_10 : vector<10000x128xf32>
    %get3A_12 = arith.constant 0 : index
    %get3A_13 = arith.constant 0 : index
    %get3A_14 = vector.load %arg3[%get3A_12, %get3A_13] : memref<128x64xf32, #tpu.memory_space<vmem>>, vector<128x64xf32>
    %dot_general3A_15 = arith.constant dense<0.000000e+00> : vector<10000x64xf32>
    %dot_general3A_16 = tpu.matmul %max3A_11, %get3A_14, %dot_general3A_15 {dimension_numbers = #tpu.dot_dimension_numbers<[1], [0], [0], [1], [0, 0, 1, 1], [], []>, transpose_lhs_hint = false} : vector<10000x128xf32>, vector<128x64xf32>, vector<10000x64xf32> -> vector<10000x64xf32>
    %get3A_17 = arith.constant 0 : index
    %get3A_18 = arith.constant 0 : index
    %get3A_19 = vector.load %arg4[%get3A_17, %get3A_18] : memref<1x64xf32, #tpu.memory_space<vmem>>, vector<1x64xf32>
    %add3A_20 = vector.broadcast %get3A_19 : vector<1x64xf32> to vector<10000x64xf32>
    %add3A_21 = arith.addf %dot_general3A_16, %add3A_20 : vector<10000x64xf32>
    %reduce_max3A = arith.constant dense<0xFF800000> : vector<10000xf32>
    %reduce_max3A_22 = vector.multi_reduction <maximumf>, %add3A_21, %reduce_max3A [1] : vector<10000x64xf32> to vector<10000xf32>
    %broadcast_in_dim3A = vector.shape_cast %reduce_max3A_22 : vector<10000xf32> to vector<10000x1xf32>
    %sub3A = vector.broadcast %broadcast_in_dim3A : vector<10000x1xf32> to vector<10000x64xf32>
    %sub3A_23 = arith.subf %add3A_21, %sub3A : vector<10000x64xf32>
    %exp3A = math.exp %sub3A_23 : vector<10000x64xf32>
    %reduce_sum3A = arith.constant dense<0.000000e+00> : vector<10000xf32>
    %reduce_sum3A_24 = vector.multi_reduction <add>, %exp3A, %reduce_sum3A [1] : vector<10000x64xf32> to vector<10000xf32>
    %broadcast_in_dim3A_25 = vector.shape_cast %reduce_sum3A_24 : vector<10000xf32> to vector<10000x1xf32>
    %div3A = vector.broadcast %broadcast_in_dim3A_25 : vector<10000x1xf32> to vector<10000x64xf32>
    %div3A_26 = arith.divf %exp3A, %div3A : vector<10000x64xf32>
    %swap3A = arith.constant 0 : index
    %swap3A_27 = arith.constant 0 : index
    %swap3A_28 = vector.load %arg7[%swap3A, %swap3A_27] : memref<10000x64xf32, #tpu.memory_space<vmem>>, vector<10000x64xf32>
    tpu.vector_store %arg7[%swap3A, %swap3A_27], %div3A_26 {strides = array<i32>} : memref<10000x64xf32, #tpu.memory_space<vmem>>, vector<10000x64xf32>,
    %get3A_29 = arith.constant 0 : index
    %get3A_30 = arith.constant 0 : index
    %get3A_31 = vector.load %arg5[%get3A_29, %get3A_30] : memref<128x128xf32, #tpu.memory_space<vmem>>, vector<128x128xf32>
    %dot_general3A_32 = arith.constant dense<0.000000e+00> : vector<10000x128xf32>
    %dot_general3A_33 = tpu.matmul %get3A_1, %get3A_31, %dot_general3A_32 {dimension_numbers = #tpu.dot_dimension_numbers<[1], [0], [0], [1], [0, 0, 1, 1], [], []>, transpose_lhs_hint = false} : vector<10000x128xf32>, vector<128x128xf32>, vector<10000x128xf32> -> vector<10000x128xf32>
    %get3A_34 = arith.constant 0 : index
    %get3A_35 = arith.constant 0 : index
    %get3A_36 = vector.load %arg6[%get3A_34, %get3A_35] : memref<1x128xf32, #tpu.memory_space<vmem>>, vector<1x128xf32>
    %add3A_37 = vector.broadcast %get3A_36 : vector<1x128xf32> to vector<10000x128xf32>
    %add3A_38 = arith.addf %dot_general3A_33, %add3A_37 : vector<10000x128xf32>
    %swap3A_39 = arith.constant 0 : index
    %swap3A_40 = arith.constant 0 : index
    %swap3A_41 = vector.load %arg8[%swap3A_39, %swap3A_40] : memref<10000x128xf32, #tpu.memory_space<vmem>>, vector<10000x128xf32>
    tpu.vector_store %arg8[%swap3A_39, %swap3A_40], %add3A_38 {strides = array<i32>} : memref<10000x128xf32, #tpu.memory_space<vmem>>, vector<10000x128xf32>,
    return
  }
}

module attributes {stable_mosaic.version = 14 : i64} {
  func.func @_dense_body(%arg0: memref<128x10000xf32, #tpu.memory_space<vmem>>, %arg1: memref<10000x128xf32, #tpu.memory_space<vmem>>, %arg2: memref<1x10000xi32, #tpu.memory_space<vmem>>, %arg3: memref<10000x1xi32, #tpu.memory_space<vmem>>, %arg4: memref<128x128xf32, #tpu.memory_space<vmem>>, %arg5: memref<384x128xf32, #tpu.memory_space<vmem>>, %arg6: memref<1x128xf32, #tpu.memory_space<vmem>>, %arg7: memref<16x128xf32, #tpu.memory_space<vmem>>) attributes {dimension_semantics = [], scalar_prefetch = 0 : i64, scratch_operands = 0 : i64, tpu.core_type = #tpu.core_type<tc>} {
    %get3A = arith.constant 0 : index
    %get3A_0 = arith.constant 0 : index
    %get3A_1 = vector.load %arg0[%get3A, %get3A_0] : memref<128x10000xf32, #tpu.memory_space<vmem>>, vector<128x10000xf32>
    %get3A_2 = arith.constant 0 : index
    %get3A_3 = arith.constant 0 : index
    %get3A_4 = vector.load %arg4[%get3A_2, %get3A_3] : memref<128x128xf32, #tpu.memory_space<vmem>>, vector<128x128xf32>
    %dot_general3A = arith.constant dense<0.000000e+00> : vector<10000x128xf32>
    %dot_general3A_5 = tpu.matmul %get3A_1, %get3A_4, %dot_general3A {dimension_numbers = #tpu.dot_dimension_numbers<[0], [0], [1], [1], [0, 1, 1, 1], [], []>, transpose_lhs_hint = false} : vector<128x10000xf32>, vector<128x128xf32>, vector<10000x128xf32> -> vector<10000x128xf32>
    %get3A_6 = arith.constant 0 : index
    %get3A_7 = arith.constant 0 : index
    %get3A_8 = vector.load %arg1[%get3A_6, %get3A_7] : memref<10000x128xf32, #tpu.memory_space<vmem>>, vector<10000x128xf32>
    %add3A = arith.addf %dot_general3A_5, %get3A_8 : vector<10000x128xf32>
    %get3A_9 = arith.constant 0 : index
    %get3A_10 = arith.constant 0 : index
    %get3A_11 = vector.load %arg2[%get3A_9, %get3A_10] : memref<1x10000xi32, #tpu.memory_space<vmem>>, vector<1x10000xi32>
    %get3A_12 = arith.constant 0 : index
    %get3A_13 = arith.constant 0 : index
    %get3A_14 = vector.load %arg3[%get3A_12, %get3A_13] : memref<10000x1xi32, #tpu.memory_space<vmem>>, vector<10000x1xi32>
    %iota3A = tpu.iota {dimensions = array<i32: 0>} : vector<16x10000xi32>
    %eq3A = vector.broadcast %get3A_11 : vector<1x10000xi32> to vector<16x10000xi32>
    %eq3A_15 = arith.cmpi eq, %eq3A, %iota3A : vector<16x10000xi32>
    %convert_element_type3A = arith.extui %eq3A_15 : vector<16x10000xi1> to vector<16x10000xi32>
    %convert_element_type3A_16 = arith.sitofp %convert_element_type3A : vector<16x10000xi32> to vector<16x10000xf32>
    %dot_general3A_17 = arith.constant dense<0.000000e+00> : vector<16x128xf32>
    %dot_general3A_18 = tpu.matmul %convert_element_type3A_16, %add3A, %dot_general3A_17 {dimension_numbers = #tpu.dot_dimension_numbers<[1], [0], [0], [1], [0, 0, 1, 1], [], []>, transpose_lhs_hint = false} : vector<16x10000xf32>, vector<10000x128xf32>, vector<16x128xf32> -> vector<16x128xf32>
    %reduce_sum3A = arith.constant dense<0.000000e+00> : vector<16xf32>
    %reduce_sum3A_19 = vector.multi_reduction <add>, %convert_element_type3A_16, %reduce_sum3A [1] : vector<16x10000xf32> to vector<16xf32>
    %broadcast_in_dim3A = vector.shape_cast %reduce_sum3A_19 : vector<16xf32> to vector<16x1xf32>
    %broadcast_in_dim3A_20 = vector.shape_cast %broadcast_in_dim3A : vector<16x1xf32> to vector<16x1xf32>
    %broadcast_in_dim3A_21 = vector.broadcast %broadcast_in_dim3A_20 : vector<16x1xf32> to vector<16x128xf32>
    %max3A = arith.constant 1.000000e+00 : f32
    %max3A_22 = vector.broadcast %max3A : f32 to vector<16x128xf32>
    %max3A_23 = arith.maximumf %broadcast_in_dim3A_21, %max3A_22 : vector<16x128xf32>
    %div3A = arith.divf %dot_general3A_18, %max3A_23 : vector<16x128xf32>
    %eq3A_24 = arith.constant 0 : i32
    %eq3A_25 = vector.broadcast %eq3A_24 : i32 to vector<10000x1xi32>
    %eq3A_26 = arith.cmpi eq, %get3A_14, %eq3A_25 : vector<10000x1xi32>
    %jit3A = arith.constant 0xFF800000 : f32
    %broadcast_in_dim3A_27 = vector.shape_cast %eq3A_26 : vector<10000x1xi1> to vector<10000x1xi1>
    %broadcast_in_dim3A_28 = vector.broadcast %broadcast_in_dim3A_27 : vector<10000x1xi1> to vector<10000x128xi1>
    %broadcast_in_dim3A_29 = vector.broadcast %jit3A : f32 to vector<10000x128xf32>
    %select_n3A = arith.select %broadcast_in_dim3A_28, %add3A, %broadcast_in_dim3A_29 : vector<10000x128xi1>, vector<10000x128xf32>
    %reduce_max3A = arith.constant dense<0xFF800000> : vector<128xf32>
    %reduce_max3A_30 = vector.multi_reduction <maximumf>, %select_n3A, %reduce_max3A [0] : vector<10000x128xf32> to vector<128xf32>
    %broadcast_in_dim3A_31 = vector.shape_cast %reduce_max3A_30 : vector<128xf32> to vector<1x128xf32>
    %eq3A_32 = arith.constant 1 : i32
    %eq3A_33 = vector.broadcast %eq3A_32 : i32 to vector<10000x1xi32>
    %eq3A_34 = arith.cmpi eq, %get3A_14, %eq3A_33 : vector<10000x1xi32>
    %jit3A_35 = arith.constant 0xFF800000 : f32
    %broadcast_in_dim3A_36 = vector.shape_cast %eq3A_34 : vector<10000x1xi1> to vector<10000x1xi1>
    %broadcast_in_dim3A_37 = vector.broadcast %broadcast_in_dim3A_36 : vector<10000x1xi1> to vector<10000x128xi1>
    %broadcast_in_dim3A_38 = vector.broadcast %jit3A_35 : f32 to vector<10000x128xf32>
    %select_n3A_39 = arith.select %broadcast_in_dim3A_37, %add3A, %broadcast_in_dim3A_38 : vector<10000x128xi1>, vector<10000x128xf32>
    %reduce_max3A_40 = arith.constant dense<0xFF800000> : vector<128xf32>
    %reduce_max3A_41 = vector.multi_reduction <maximumf>, %select_n3A_39, %reduce_max3A_40 [0] : vector<10000x128xf32> to vector<128xf32>
    %broadcast_in_dim3A_42 = vector.shape_cast %reduce_max3A_41 : vector<128xf32> to vector<1x128xf32>
    %eq3A_43 = arith.constant 2 : i32
    %eq3A_44 = vector.broadcast %eq3A_43 : i32 to vector<10000x1xi32>
    %eq3A_45 = arith.cmpi eq, %get3A_14, %eq3A_44 : vector<10000x1xi32>
    %jit3A_46 = arith.constant 0xFF800000 : f32
    %broadcast_in_dim3A_47 = vector.shape_cast %eq3A_45 : vector<10000x1xi1> to vector<10000x1xi1>
    %broadcast_in_dim3A_48 = vector.broadcast %broadcast_in_dim3A_47 : vector<10000x1xi1> to vector<10000x128xi1>
    %broadcast_in_dim3A_49 = vector.broadcast %jit3A_46 : f32 to vector<10000x128xf32>
    %select_n3A_50 = arith.select %broadcast_in_dim3A_48, %add3A, %broadcast_in_dim3A_49 : vector<10000x128xi1>, vector<10000x128xf32>
    %reduce_max3A_51 = arith.constant dense<0xFF800000> : vector<128xf32>
    %reduce_max3A_52 = vector.multi_reduction <maximumf>, %select_n3A_50, %reduce_max3A_51 [0] : vector<10000x128xf32> to vector<128xf32>
    %broadcast_in_dim3A_53 = vector.shape_cast %reduce_max3A_52 : vector<128xf32> to vector<1x128xf32>
    %eq3A_54 = arith.constant 3 : i32
    %eq3A_55 = vector.broadcast %eq3A_54 : i32 to vector<10000x1xi32>
    %eq3A_56 = arith.cmpi eq, %get3A_14, %eq3A_55 : vector<10000x1xi32>
    %jit3A_57 = arith.constant 0xFF800000 : f32
    %broadcast_in_dim3A_58 = vector.shape_cast %eq3A_56 : vector<10000x1xi1> to vector<10000x1xi1>
    %broadcast_in_dim3A_59 = vector.broadcast %broadcast_in_dim3A_58 : vector<10000x1xi1> to vector<10000x128xi1>
    %broadcast_in_dim3A_60 = vector.broadcast %jit3A_57 : f32 to vector<10000x128xf32>
    %select_n3A_61 = arith.select %broadcast_in_dim3A_59, %add3A, %broadcast_in_dim3A_60 : vector<10000x128xi1>, vector<10000x128xf32>
    %reduce_max3A_62 = arith.constant dense<0xFF800000> : vector<128xf32>
    %reduce_max3A_63 = vector.multi_reduction <maximumf>, %select_n3A_61, %reduce_max3A_62 [0] : vector<10000x128xf32> to vector<128xf32>
    %broadcast_in_dim3A_64 = vector.shape_cast %reduce_max3A_63 : vector<128xf32> to vector<1x128xf32>
    %eq3A_65 = arith.constant 4 : i32
    %eq3A_66 = vector.broadcast %eq3A_65 : i32 to vector<10000x1xi32>
    %eq3A_67 = arith.cmpi eq, %get3A_14, %eq3A_66 : vector<10000x1xi32>
    %jit3A_68 = arith.constant 0xFF800000 : f32
    %broadcast_in_dim3A_69 = vector.shape_cast %eq3A_67 : vector<10000x1xi1> to vector<10000x1xi1>
    %broadcast_in_dim3A_70 = vector.broadcast %broadcast_in_dim3A_69 : vector<10000x1xi1> to vector<10000x128xi1>
    %broadcast_in_dim3A_71 = vector.broadcast %jit3A_68 : f32 to vector<10000x128xf32>
    %select_n3A_72 = arith.select %broadcast_in_dim3A_70, %add3A, %broadcast_in_dim3A_71 : vector<10000x128xi1>, vector<10000x128xf32>
    %reduce_max3A_73 = arith.constant dense<0xFF800000> : vector<128xf32>
    %reduce_max3A_74 = vector.multi_reduction <maximumf>, %select_n3A_72, %reduce_max3A_73 [0] : vector<10000x128xf32> to vector<128xf32>
    %broadcast_in_dim3A_75 = vector.shape_cast %reduce_max3A_74 : vector<128xf32> to vector<1x128xf32>
    %eq3A_76 = arith.constant 5 : i32
    %eq3A_77 = vector.broadcast %eq3A_76 : i32 to vector<10000x1xi32>
    %eq3A_78 = arith.cmpi eq, %get3A_14, %eq3A_77 : vector<10000x1xi32>
    %jit3A_79 = arith.constant 0xFF800000 : f32
    %broadcast_in_dim3A_80 = vector.shape_cast %eq3A_78 : vector<10000x1xi1> to vector<10000x1xi1>
    %broadcast_in_dim3A_81 = vector.broadcast %broadcast_in_dim3A_80 : vector<10000x1xi1> to vector<10000x128xi1>
    %broadcast_in_dim3A_82 = vector.broadcast %jit3A_79 : f32 to vector<10000x128xf32>
    %select_n3A_83 = arith.select %broadcast_in_dim3A_81, %add3A, %broadcast_in_dim3A_82 : vector<10000x128xi1>, vector<10000x128xf32>
    %reduce_max3A_84 = arith.constant dense<0xFF800000> : vector<128xf32>
    %reduce_max3A_85 = vector.multi_reduction <maximumf>, %select_n3A_83, %reduce_max3A_84 [0] : vector<10000x128xf32> to vector<128xf32>
    %broadcast_in_dim3A_86 = vector.shape_cast %reduce_max3A_85 : vector<128xf32> to vector<1x128xf32>
    %eq3A_87 = arith.constant 6 : i32
    %eq3A_88 = vector.broadcast %eq3A_87 : i32 to vector<10000x1xi32>
    %eq3A_89 = arith.cmpi eq, %get3A_14, %eq3A_88 : vector<10000x1xi32>
    %jit3A_90 = arith.constant 0xFF800000 : f32
    %broadcast_in_dim3A_91 = vector.shape_cast %eq3A_89 : vector<10000x1xi1> to vector<10000x1xi1>
    %broadcast_in_dim3A_92 = vector.broadcast %broadcast_in_dim3A_91 : vector<10000x1xi1> to vector<10000x128xi1>
    %broadcast_in_dim3A_93 = vector.broadcast %jit3A_90 : f32 to vector<10000x128xf32>
    %select_n3A_94 = arith.select %broadcast_in_dim3A_92, %add3A, %broadcast_in_dim3A_93 : vector<10000x128xi1>, vector<10000x128xf32>
    %reduce_max3A_95 = arith.constant dense<0xFF800000> : vector<128xf32>
    %reduce_max3A_96 = vector.multi_reduction <maximumf>, %select_n3A_94, %reduce_max3A_95 [0] : vector<10000x128xf32> to vector<128xf32>
    %broadcast_in_dim3A_97 = vector.shape_cast %reduce_max3A_96 : vector<128xf32> to vector<1x128xf32>
    %eq3A_98 = arith.constant 7 : i32
    %eq3A_99 = vector.broadcast %eq3A_98 : i32 to vector<10000x1xi32>
    %eq3A_100 = arith.cmpi eq, %get3A_14, %eq3A_99 : vector<10000x1xi32>
    %jit3A_101 = arith.constant 0xFF800000 : f32
    %broadcast_in_dim3A_102 = vector.shape_cast %eq3A_100 : vector<10000x1xi1> to vector<10000x1xi1>
    %broadcast_in_dim3A_103 = vector.broadcast %broadcast_in_dim3A_102 : vector<10000x1xi1> to vector<10000x128xi1>
    %broadcast_in_dim3A_104 = vector.broadcast %jit3A_101 : f32 to vector<10000x128xf32>
    %select_n3A_105 = arith.select %broadcast_in_dim3A_103, %add3A, %broadcast_in_dim3A_104 : vector<10000x128xi1>, vector<10000x128xf32>
    %reduce_max3A_106 = arith.constant dense<0xFF800000> : vector<128xf32>
    %reduce_max3A_107 = vector.multi_reduction <maximumf>, %select_n3A_105, %reduce_max3A_106 [0] : vector<10000x128xf32> to vector<128xf32>
    %broadcast_in_dim3A_108 = vector.shape_cast %reduce_max3A_107 : vector<128xf32> to vector<1x128xf32>
    %eq3A_109 = arith.constant 8 : i32
    %eq3A_110 = vector.broadcast %eq3A_109 : i32 to vector<10000x1xi32>
    %eq3A_111 = arith.cmpi eq, %get3A_14, %eq3A_110 : vector<10000x1xi32>
    %jit3A_112 = arith.constant 0xFF800000 : f32
    %broadcast_in_dim3A_113 = vector.shape_cast %eq3A_111 : vector<10000x1xi1> to vector<10000x1xi1>
    %broadcast_in_dim3A_114 = vector.broadcast %broadcast_in_dim3A_113 : vector<10000x1xi1> to vector<10000x128xi1>
    %broadcast_in_dim3A_115 = vector.broadcast %jit3A_112 : f32 to vector<10000x128xf32>
    %select_n3A_116 = arith.select %broadcast_in_dim3A_114, %add3A, %broadcast_in_dim3A_115 : vector<10000x128xi1>, vector<10000x128xf32>
    %reduce_max3A_117 = arith.constant dense<0xFF800000> : vector<128xf32>
    %reduce_max3A_118 = vector.multi_reduction <maximumf>, %select_n3A_116, %reduce_max3A_117 [0] : vector<10000x128xf32> to vector<128xf32>
    %broadcast_in_dim3A_119 = vector.shape_cast %reduce_max3A_118 : vector<128xf32> to vector<1x128xf32>
    %eq3A_120 = arith.constant 9 : i32
    %eq3A_121 = vector.broadcast %eq3A_120 : i32 to vector<10000x1xi32>
    %eq3A_122 = arith.cmpi eq, %get3A_14, %eq3A_121 : vector<10000x1xi32>
    %jit3A_123 = arith.constant 0xFF800000 : f32
    %broadcast_in_dim3A_124 = vector.shape_cast %eq3A_122 : vector<10000x1xi1> to vector<10000x1xi1>
    %broadcast_in_dim3A_125 = vector.broadcast %broadcast_in_dim3A_124 : vector<10000x1xi1> to vector<10000x128xi1>
    %broadcast_in_dim3A_126 = vector.broadcast %jit3A_123 : f32 to vector<10000x128xf32>
    %select_n3A_127 = arith.select %broadcast_in_dim3A_125, %add3A, %broadcast_in_dim3A_126 : vector<10000x128xi1>, vector<10000x128xf32>
    %reduce_max3A_128 = arith.constant dense<0xFF800000> : vector<128xf32>
    %reduce_max3A_129 = vector.multi_reduction <maximumf>, %select_n3A_127, %reduce_max3A_128 [0] : vector<10000x128xf32> to vector<128xf32>
    %broadcast_in_dim3A_130 = vector.shape_cast %reduce_max3A_129 : vector<128xf32> to vector<1x128xf32>
    %eq3A_131 = arith.constant 10 : i32
    %eq3A_132 = vector.broadcast %eq3A_131 : i32 to vector<10000x1xi32>
    %eq3A_133 = arith.cmpi eq, %get3A_14, %eq3A_132 : vector<10000x1xi32>
    %jit3A_134 = arith.constant 0xFF800000 : f32
    %broadcast_in_dim3A_135 = vector.shape_cast %eq3A_133 : vector<10000x1xi1> to vector<10000x1xi1>
    %broadcast_in_dim3A_136 = vector.broadcast %broadcast_in_dim3A_135 : vector<10000x1xi1> to vector<10000x128xi1>
    %broadcast_in_dim3A_137 = vector.broadcast %jit3A_134 : f32 to vector<10000x128xf32>
    %select_n3A_138 = arith.select %broadcast_in_dim3A_136, %add3A, %broadcast_in_dim3A_137 : vector<10000x128xi1>, vector<10000x128xf32>
    %reduce_max3A_139 = arith.constant dense<0xFF800000> : vector<128xf32>
    %reduce_max3A_140 = vector.multi_reduction <maximumf>, %select_n3A_138, %reduce_max3A_139 [0] : vector<10000x128xf32> to vector<128xf32>
    %broadcast_in_dim3A_141 = vector.shape_cast %reduce_max3A_140 : vector<128xf32> to vector<1x128xf32>
    %eq3A_142 = arith.constant 11 : i32
    %eq3A_143 = vector.broadcast %eq3A_142 : i32 to vector<10000x1xi32>
    %eq3A_144 = arith.cmpi eq, %get3A_14, %eq3A_143 : vector<10000x1xi32>
    %jit3A_145 = arith.constant 0xFF800000 : f32
    %broadcast_in_dim3A_146 = vector.shape_cast %eq3A_144 : vector<10000x1xi1> to vector<10000x1xi1>
    %broadcast_in_dim3A_147 = vector.broadcast %broadcast_in_dim3A_146 : vector<10000x1xi1> to vector<10000x128xi1>
    %broadcast_in_dim3A_148 = vector.broadcast %jit3A_145 : f32 to vector<10000x128xf32>
    %select_n3A_149 = arith.select %broadcast_in_dim3A_147, %add3A, %broadcast_in_dim3A_148 : vector<10000x128xi1>, vector<10000x128xf32>
    %reduce_max3A_150 = arith.constant dense<0xFF800000> : vector<128xf32>
    %reduce_max3A_151 = vector.multi_reduction <maximumf>, %select_n3A_149, %reduce_max3A_150 [0] : vector<10000x128xf32> to vector<128xf32>
    %broadcast_in_dim3A_152 = vector.shape_cast %reduce_max3A_151 : vector<128xf32> to vector<1x128xf32>
    %eq3A_153 = arith.constant 12 : i32
    %eq3A_154 = vector.broadcast %eq3A_153 : i32 to vector<10000x1xi32>
    %eq3A_155 = arith.cmpi eq, %get3A_14, %eq3A_154 : vector<10000x1xi32>
    %jit3A_156 = arith.constant 0xFF800000 : f32
    %broadcast_in_dim3A_157 = vector.shape_cast %eq3A_155 : vector<10000x1xi1> to vector<10000x1xi1>
    %broadcast_in_dim3A_158 = vector.broadcast %broadcast_in_dim3A_157 : vector<10000x1xi1> to vector<10000x128xi1>
    %broadcast_in_dim3A_159 = vector.broadcast %jit3A_156 : f32 to vector<10000x128xf32>
    %select_n3A_160 = arith.select %broadcast_in_dim3A_158, %add3A, %broadcast_in_dim3A_159 : vector<10000x128xi1>, vector<10000x128xf32>
    %reduce_max3A_161 = arith.constant dense<0xFF800000> : vector<128xf32>
    %reduce_max3A_162 = vector.multi_reduction <maximumf>, %select_n3A_160, %reduce_max3A_161 [0] : vector<10000x128xf32> to vector<128xf32>
    %broadcast_in_dim3A_163 = vector.shape_cast %reduce_max3A_162 : vector<128xf32> to vector<1x128xf32>
    %eq3A_164 = arith.constant 13 : i32
    %eq3A_165 = vector.broadcast %eq3A_164 : i32 to vector<10000x1xi32>
    %eq3A_166 = arith.cmpi eq, %get3A_14, %eq3A_165 : vector<10000x1xi32>
    %jit3A_167 = arith.constant 0xFF800000 : f32
    %broadcast_in_dim3A_168 = vector.shape_cast %eq3A_166 : vector<10000x1xi1> to vector<10000x1xi1>
    %broadcast_in_dim3A_169 = vector.broadcast %broadcast_in_dim3A_168 : vector<10000x1xi1> to vector<10000x128xi1>
    %broadcast_in_dim3A_170 = vector.broadcast %jit3A_167 : f32 to vector<10000x128xf32>
    %select_n3A_171 = arith.select %broadcast_in_dim3A_169, %add3A, %broadcast_in_dim3A_170 : vector<10000x128xi1>, vector<10000x128xf32>
    %reduce_max3A_172 = arith.constant dense<0xFF800000> : vector<128xf32>
    %reduce_max3A_173 = vector.multi_reduction <maximumf>, %select_n3A_171, %reduce_max3A_172 [0] : vector<10000x128xf32> to vector<128xf32>
    %broadcast_in_dim3A_174 = vector.shape_cast %reduce_max3A_173 : vector<128xf32> to vector<1x128xf32>
    %eq3A_175 = arith.constant 14 : i32
    %eq3A_176 = vector.broadcast %eq3A_175 : i32 to vector<10000x1xi32>
    %eq3A_177 = arith.cmpi eq, %get3A_14, %eq3A_176 : vector<10000x1xi32>
    %jit3A_178 = arith.constant 0xFF800000 : f32
    %broadcast_in_dim3A_179 = vector.shape_cast %eq3A_177 : vector<10000x1xi1> to vector<10000x1xi1>
    %broadcast_in_dim3A_180 = vector.broadcast %broadcast_in_dim3A_179 : vector<10000x1xi1> to vector<10000x128xi1>
    %broadcast_in_dim3A_181 = vector.broadcast %jit3A_178 : f32 to vector<10000x128xf32>
    %select_n3A_182 = arith.select %broadcast_in_dim3A_180, %add3A, %broadcast_in_dim3A_181 : vector<10000x128xi1>, vector<10000x128xf32>
    %reduce_max3A_183 = arith.constant dense<0xFF800000> : vector<128xf32>
    %reduce_max3A_184 = vector.multi_reduction <maximumf>, %select_n3A_182, %reduce_max3A_183 [0] : vector<10000x128xf32> to vector<128xf32>
    %broadcast_in_dim3A_185 = vector.shape_cast %reduce_max3A_184 : vector<128xf32> to vector<1x128xf32>
    %eq3A_186 = arith.constant 15 : i32
    %eq3A_187 = vector.broadcast %eq3A_186 : i32 to vector<10000x1xi32>
    %eq3A_188 = arith.cmpi eq, %get3A_14, %eq3A_187 : vector<10000x1xi32>
    %jit3A_189 = arith.constant 0xFF800000 : f32
    %broadcast_in_dim3A_190 = vector.shape_cast %eq3A_188 : vector<10000x1xi1> to vector<10000x1xi1>
    %broadcast_in_dim3A_191 = vector.broadcast %broadcast_in_dim3A_190 : vector<10000x1xi1> to vector<10000x128xi1>
    %broadcast_in_dim3A_192 = vector.broadcast %jit3A_189 : f32 to vector<10000x128xf32>
    %select_n3A_193 = arith.select %broadcast_in_dim3A_191, %add3A, %broadcast_in_dim3A_192 : vector<10000x128xi1>, vector<10000x128xf32>
    %reduce_max3A_194 = arith.constant dense<0xFF800000> : vector<128xf32>
    %reduce_max3A_195 = vector.multi_reduction <maximumf>, %select_n3A_193, %reduce_max3A_194 [0] : vector<10000x128xf32> to vector<128xf32>
    %broadcast_in_dim3A_196 = vector.shape_cast %reduce_max3A_195 : vector<128xf32> to vector<1x128xf32>
    %concatenate3A = tpu.concatenate %broadcast_in_dim3A_31, %broadcast_in_dim3A_42, %broadcast_in_dim3A_53, %broadcast_in_dim3A_64, %broadcast_in_dim3A_75, %broadcast_in_dim3A_86, %broadcast_in_dim3A_97, %broadcast_in_dim3A_108, %broadcast_in_dim3A_119, %broadcast_in_dim3A_130, %broadcast_in_dim3A_141, %broadcast_in_dim3A_152, %broadcast_in_dim3A_163, %broadcast_in_dim3A_174, %broadcast_in_dim3A_185, %broadcast_in_dim3A_196 in 0 : vector<1x128xf32>, vector<1x128xf32>, vector<1x128xf32>, vector<1x128xf32>, vector<1x128xf32>, vector<1x128xf32>, vector<1x128xf32>, vector<1x128xf32>, vector<1x128xf32>, vector<1x128xf32>, vector<1x128xf32>, vector<1x128xf32>, vector<1x128xf32>, vector<1x128xf32>, vector<1x128xf32>, vector<1x128xf32> -> vector<16x128xf32>
    %get3A_197 = arith.constant 0 : index
    %get3A_198 = arith.constant 0 : index
    %get3A_199 = vector.load %arg5[%get3A_197, %get3A_198] : memref<384x128xf32, #tpu.memory_space<vmem>>, vector<384x128xf32>
    %slice3A = vector.extract_strided_slice %get3A_199 {offsets = [0, 0], sizes = [128, 128], strides = [1, 1]} : vector<384x128xf32> to vector<128x128xf32>
    %dot_general3A_200 = arith.constant dense<0.000000e+00> : vector<16x128xf32>
    %dot_general3A_201 = tpu.matmul %div3A, %slice3A, %dot_general3A_200 {dimension_numbers = #tpu.dot_dimension_numbers<[1], [0], [0], [1], [0, 0, 1, 1], [], []>, transpose_lhs_hint = false} : vector<16x128xf32>, vector<128x128xf32>, vector<16x128xf32> -> vector<16x128xf32>
    %slice3A_202 = vector.extract_strided_slice %get3A_199 {offsets = [128, 0], sizes = [128, 128], strides = [1, 1]} : vector<384x128xf32> to vector<128x128xf32>
    %dot_general3A_203 = arith.constant dense<0.000000e+00> : vector<16x128xf32>
    %dot_general3A_204 = tpu.matmul %concatenate3A, %slice3A_202, %dot_general3A_203 {dimension_numbers = #tpu.dot_dimension_numbers<[1], [0], [0], [1], [0, 0, 1, 1], [], []>, transpose_lhs_hint = false} : vector<16x128xf32>, vector<128x128xf32>, vector<16x128xf32> -> vector<16x128xf32>
    %add3A_205 = arith.addf %dot_general3A_201, %dot_general3A_204 : vector<16x128xf32>
    %slice3A_206 = vector.extract_strided_slice %get3A_199 {offsets = [256, 0], sizes = [128, 128], strides = [1, 1]} : vector<384x128xf32> to vector<128x128xf32>
    %dot_general3A_207 = arith.constant dense<0.000000e+00> : vector<16x128xf32>
    %dot_general3A_208 = tpu.matmul %dot_general3A_18, %slice3A_206, %dot_general3A_207 {dimension_numbers = #tpu.dot_dimension_numbers<[1], [0], [0], [1], [0, 0, 1, 1], [], []>, transpose_lhs_hint = false} : vector<16x128xf32>, vector<128x128xf32>, vector<16x128xf32> -> vector<16x128xf32>
    %add3A_209 = arith.addf %add3A_205, %dot_general3A_208 : vector<16x128xf32>
    %get3A_210 = arith.constant 0 : index
    %get3A_211 = arith.constant 0 : index
    %get3A_212 = vector.load %arg6[%get3A_210, %get3A_211] : memref<1x128xf32, #tpu.memory_space<vmem>>, vector<1x128xf32>
    %add3A_213 = vector.broadcast %get3A_212 : vector<1x128xf32> to vector<16x128xf32>
    %add3A_214 = arith.addf %add3A_209, %add3A_213 : vector<16x128xf32>
    %swap3A = arith.constant 0 : index
    %swap3A_215 = arith.constant 0 : index
    %swap3A_216 = vector.load %arg7[%swap3A, %swap3A_215] : memref<16x128xf32, #tpu.memory_space<vmem>>, vector<16x128xf32>
    tpu.vector_store %arg7[%swap3A, %swap3A_215], %add3A_214 {strides = array<i32>} : memref<16x128xf32, #tpu.memory_space<vmem>>, vector<16x128xf32>,
    return
  }
}

</mosaic_0001>

<sc_bundles>
// kernel: kernel.5.cloned.1.call-start
scs
__scs_entry_jumppad:
0x0: {  	(pc) =	sbr.rel $0x88, $3  }
0x1: {  	(tag) =	ssettag $0x0;
	lr =	simm.s32 $0x1  }
0x2: {  	[smem:$0x3F95] =	sst lr;
	_ =	strace $0xD0000000  }
0x3: {  	_ = 	snop  }
0x4: {  	_ = 	snop  }
0x5: {  	_ = 	snop  }
0x6: {  	_ = 	snop  }
0x7: {  	_ = 	snop  }
__scs_overlays_trampoline_lowered:
0x8: {  	[smem:$0x3FA4] =	sst s0  }
0x9: {  	[smem:$0x3FA5] =	sst s1  }
0xa: {  	[smem:$0x3FA6] =	sst s2  }
0xb: {  	[smem:$0x3FA7] =	sst s3  }
0xc: {  	[smem:$0x3FA8] =	sst s4  }
0xd: {  	[smem:$0x3FA9] =	sst s5  }
0xe: {  	[smem:$0x3FAA] =	sst s6  }
0xf: {  	[smem:$0x3FAB] =	sst s7  }
0x10: {  	[smem:$0x3FAC] =	sst s8  }
0x11: {  	[smem:$0x3FAD] =	sst s9;
	s0 =	simm.s32 @!p0 $0x0  }
0x12: {  	s1 =	sld [smem:$0x3F93];
	s0 =	simm.s32 @p0 $0x1  }
0x13: {  	[smem:$0x3FAE] =	sst s0;
	s0 =	simm.s32 @!p1 $0x0  }
0x14: {  	s2 =	sld [smem:$0x3F92];
	s0 =	simm.s32 @p1 $0x1  }
0x15: {  	[smem:$0x3FAF] =	sst s0;
	s0 =	simm.s32 @!p2 $0x0  }
0x16: {  	s3 =	sld [smem:$0x3FDB];
	s0 =	simm.s32 @p2 $0x1  }
0x17: {  	s4 =	simm.s32 $0x1BF5;
	[smem:$0x3FB1] =	sst s0  }
0x18: {  	s0 =	sld [smem:$0x3F94];
	_ =	swait.ge [sflag:s4], $0x0  }
0x19: {  	s7 =	sld [smem:$0x3F95]  }
0x1a: {  	s8 =	sadd.s32 $0xFFFFE003, lr  }
0x1b: {  	s9 =	sadd.s32 $0xFFFFFEF7, lr;
	s5 =	simm.s32 $0xFFFFFFFF;
	p2 =	slt.u32 s8, $0xFFFFF086  }
0x1c: {  	p1 =	slt.u32 s9, $0xF7A;
	s5 =	simm.s32 @!p2 $0x0  }
0x1d: {  	s5 =	simm.s32 @p1 $0x1;
	p0 =	seq.s32 s7, s2  }
0x1e: {  	s7 =	smul.u32 @!p0 $0xF7A, s2;
	p2 =	seq.s32 @!p0 s5, $0x0  }
0x1f: {  	s9 =	smul.u32 $0xF7A, s1;
	s8 =	simm.s32 @!p0 $0x1BF5;
	p2 =	por !p2, p0  }
0x20: {  	[sflag:s8] =	ssyncset.s32 @!p0 $0xFFFFF086;
	s6 =	sadd.s32 @!p0 s3, s7;
	s7 =	simm.s32 @!p0 $0x108  }
0x21: {  	s3 =	sadd.s32 s3, s9;
	s6 =	sadd.s32 @!p0 $0x88, s6;
	s7 =	simm.s32 @p2 $0x1082  }
0x22: {  	[simem:s7], [sflag:s8] =	dma.local @!p0 [hbm:s6], $0xF7A  }
0x23: {  	s9 =	sor.u32 $0xD0000000, s2;
	s6 =	simm.s32 $0x108;
	_ =	swait.ge @!p0 [sflag:s8], $0x0  }
0x24: {  	s3 =	sadd.s32 $0x88, s3;
	s6 =	simm.s32 @!p1 $0x1082;
	[sflag:s4] =	ssyncset.s32 $0xFFFFF086  }
0x25: {  	[simem:s6], [sflag:s4] =	dma.local [hbm:s3], $0xF7A  }
0x26: {  	[smem:$0x3F95] =	sst s1;
	(tag) =	ssettag s2;
	_ =	strace s9  }
0x27: {  	s1 =	sld [smem:$0x3FA5]  }
0x28: {  	s2 =	sld [smem:$0x3FA6]  }
0x29: {  	s4 =	sld [smem:$0x3FA8]  }
0x2a: {  	p0 =	seq.s32 s5, $0x0;
	s5 =	sld [smem:$0x3FA9]  }
0x2b: {  	s6 =	sld [smem:$0x3FAA]  }
0x2c: {  	s7 =	sld [smem:$0x3FAB]  }
0x2d: {  	s3 =	simm.s32 $0x108;
	s8 =	sld [smem:$0x3FAC]  }
0x2e: {  	s3 =	simm.s32 @!p0 $0x1082;
	s9 =	sld [smem:$0x3FAD]  }
0x2f: {  	lr =	sadd.s32 s0, s3;
	s0 =	sld [smem:$0x3FA4]  }
0x30: {  	s3 =	sld [smem:$0x3FA7]  }
0x31: {  	[smem:$0x3FB0] =	sst s10  }
0x32: {  	s10 =	sld [smem:$0x3FAE];
	_ =	sdelay $0x3  }
0x33: {  	p0 =	seq.s32 s10, $0x1;
	s10 =	sld [smem:$0x3FB0];
	_ =	sdelay $0x3  }
0x34: {  	[smem:$0x3FB0] =	sst s10  }
0x35: {  	s10 =	sld [smem:$0x3FAF];
	_ =	sdelay $0x3  }
0x36: {  	p1 =	seq.s32 s10, $0x1;
	s10 =	sld [smem:$0x3FB0];
	_ =	sdelay $0x3  }
0x37: {  	[smem:$0x3FB0] =	sst s10  }
0x38: {  	s10 =	sld [smem:$0x3FB1]  }
0x39: {  	_ = 	snop;
	(pc) =	sbr.ind lr, $3  }
0x3a: {  	_ = 	snop  }
0x3b: {  	_ = 	snop  }
0x3c: {  	p2 =	seq.s32 s10, $0x1;
	s10 =	sld [smem:$0x3FB0]  }
0x3d: {  	_ =	shalt  }
0x3e: {  	_ =	shalt  }
0x3f: {  	_ =	shalt  }
0x40: {  	_ =	shalt  }
0x41: {  	_ =	shalt  }
0x42: {  	_ =	shalt  }
0x43: {  	_ =	shalt  }
0x44: {  	_ =	shalt  }
0x45: {  	_ =	shalt  }
0x46: {  	_ =	shalt  }
0x47: {  	_ =	shalt  }
0x48: {  	_ =	shalt  }
0x49: {  	_ =	shalt  }
0x4a: {  	_ =	shalt  }
0x4b: {  	_ =	shalt  }
0x4c: {  	_ =	shalt  }
0x4d: {  	_ =	shalt  }
0x4e: {  	_ =	shalt  }
0x4f: {  	_ =	shalt  }
0x50: {  	_ =	shalt  }
0x51: {  	_ =	shalt  }
0x52: {  	_ =	shalt  }
0x53: {  	_ =	shalt  }
0x54: {  	_ =	shalt  }
0x55: {  	_ =	shalt  }
0x56: {  	_ =	shalt  }
0x57: {  	_ =	shalt  }
0x58: {  	_ =	shalt  }
0x59: {  	_ =	shalt  }
0x5a: {  	_ =	shalt  }
0x5b: {  	_ =	shalt  }
0x5c: {  	_ =	shalt  }
0x5d: {  	_ =	shalt  }
0x5e: {  	_ =	shalt  }
0x5f: {  	_ =	shalt  }
0x60: {  	_ =	shalt  }
0x61: {  	_ =	shalt  }
0x62: {  	_ =	shalt  }
0x63: {  	_ =	shalt  }
0x64: {  	_ =	shalt  }
0x65: {  	_ =	shalt  }
0x66: {  	_ =	shalt  }
0x67: {  	_ =	shalt  }
0x68: {  	_ =	shalt  }
0x69: {  	_ =	shalt  }
0x6a: {  	_ =	shalt  }
0x6b: {  	_ =	shalt  }
0x6c: {  	_ =	shalt  }
0x6d: {  	_ =	shalt  }
0x6e: {  	_ =	shalt  }
0x6f: {  	_ =	shalt  }
0x70: {  	_ =	shalt  }
0x71: {  	_ =	shalt  }
0x72: {  	_ =	shalt  }
0x73: {  	_ =	shalt  }
0x74: {  	_ =	shalt  }
0x75: {  	_ =	shalt  }
0x76: {  	_ =	shalt  }
0x77: {  	_ =	shalt  }
0x78: {  	_ =	shalt  }
0x79: {  	_ =	shalt  }
0x7a: {  	_ =	shalt  }
0x7b: {  	_ =	shalt  }
0x7c: {  	_ =	shalt  }
0x7d: {  	_ =	shalt  }
0x7e: {  	_ =	shalt  }
0x7f: {  	_ =	shalt  }
0x80: {  	_ =	shalt  }
0x81: {  	_ =	shalt  }
0x82: {  	_ =	shalt  }
0x83: {  	_ =	shalt  }
0x84: {  	_ =	shalt  }
0x85: {  	_ =	shalt  }
0x86: {  	_ =	shalt  }
0x87: {  	_ =	shalt  }
.Lfunc_end0:
.L_simem_size_0:
called_computation_lowered:
.L_overlay_start_0:
0x88: {  	s2 =	sld [smem:$0x3FD9]  }
0x89: {  	s3 =	sld [smem:$0x3FFE];
	_ =	sdelay $0x1  }
0x8a: {  	s1 =	srdreg.scid  }
0x8b: {  	s0 =	sand.u32 $0x1, s1  }
0x8c: {  	s16 =	sshll.u32 s0, $0xA;
	s2 =	sadd.s32 s3, s2  }
0x8d: {  	s2 =	sadd.s32 s2, s16  }
0x8e: {  	[smem:$0x3FBC] =	sst s2  }
0x8f: {  	_ = 	snop  }
0x90: {  	(tm) =	ssettm $0x1  }
0x91: {  	s17 =	sld [smem:$0x3FFB];
	_ =	sdelay $0x3  }
0x92: {  	_ =	strace s17  }
0x93: {  	s2 =	sld [smem:$0x3FFC];
	_ =	sdelay $0x3  }
0x94: {  	_ =	strace s2  }
0x95: {  	s2 =	sld [smem:$0x3FFD];
	_ =	sdelay $0x3  }
0x96: {  	_ =	strace s2  }
0x97: {  	_ =	strace $0x8FFFFFFF  }
0x98: {  	s18 =	sld [smem:$0x3FDB];
	_ =	sdelay $0x1  }
0x99: {  	s19 =	simm.s32 $_scs_section_size  }
0x9a: {  	s4 =	simm.s32 $_size__tile_overlayer_lowered;
	s5 =	simm.s32 $_tile_overlayer_lowered  }
0x9b: {  	s22 =	simm.s32 $0x1BFF;
	s21 =	sshll.u32 s5, $0x1;
	s2 =	sadd.s32 s19, s18  }
0x9c: {  	s6 =	simm.s32 $0x0;
	s20 =	sshll.u32 s4, $0x1;
	s4 =	sadd.s32 s21, s2  }
0x9d: {  	[timem:s6], [sflag:s22] =	dma.local [hbm:s4], s20  }
0x9e: {  	_ =	swait.ge [sflag:s22], s20  }
0x9f: {  	s3 =	ssub.s32 $0x0, s20;
	[sflag:s22] =	ssyncset.done $0x0  }
0xa0: {  	[sflag:s22] =	ssyncadd.s32 s3;
	_ =	sdelay $0x1  }
0xa1: {  	s23 =	simm.s32 $0x1B8B  }
0xa2: {  	_ =	swait.ge [sflag:s23], $0x1  }
0xa3: {  	[sflag:s23] =	ssyncset.done $0x0  }
0xa4: {  	s25 =	simm.s32 $0x1B8E;
	s24 =	sld [smem:$0x3FFE];
	[sflag:s23] =	ssyncadd.s32 $0xFFFFFFFF  }
0xa5: {  	s26 =	simm.s32 $execute0_lowered;
	[smem:$0x3FD2] =	sst s25  }
0xa6: {  	s4 =	sshll.u32 s26, $0x1;
	_ =	strace $0x80000046;
	[dreg:$0x1] =	wrdreg $0xFFFFFFFF  }
0xa7: {  	s28 =	simm.s32 $_size_execute0_lowered;
	s2 =	sadd.s32 s2, s4;
	[dreg:$0x0] =	wrdreg $0x0  }
0xa8: {  	s4 =	sshll.u32 s28, $0x1;
	[dreg:$0x2] =	wrdreg s2  }
0xa9: {  	[dreg:$0x3] =	wrdreg s4  }
0xaa: {  	[dreg:$0x4] =	wrdreg $0xC0  }
0xab: {  	_ =	task [dreg:s6], $0x5FFFF  }
0xac: {  	[dreg:$0x1] =	wrdreg $0xFFFFFFFF  }
0xad: {  	[dreg:$0x0] =	wrdreg $0x60  }
0xae: {  	[dreg:$0x2] =	wrdreg s24  }
0xaf: {  	[dreg:$0x3] =	wrdreg $0x9  }
0xb0: {  	_ =	task.clear_ibuf [dreg:s6], $0x4FFFF;
	_ =	strace $0x90000046  }
0xb1: {  	s29 =	simm.s32 $0x9;
	_ =	strace $0x80000048  }
0xb2: {  	_ =	swait.ge [sflag:s29], $0x1  }
0xb3: {  	[sflag:s29] =	ssyncadd.s32 $0xFFFFFFFF  }
0xb4: {  	_ =	strace $0x90000048  }
0xb5: {  	_ =	sfence  }
0xb6: {  	s30 =	sld [smem:$0x0];
	_ =	sdelay $0x2  }
0xb7: {  	s31 =	sshll.u32 s1, $0xD;
	s1 =	sshrl.u32 s1, $0x2  }
0xb8: {  	s3 =	sand.u32 $0x4000, s31;
	s1 =	sadd.s32 s1, s30  }
0xb9: {  	s0 =	sor.u32 s3, s0;
	s1 =	sshll.u32 s1, $0x11  }
0xba: {  	s0 =	sor.u32 s1, s0  }
0xbb: {  	s0 =	sadd.s32 $0x8F2B, s0  }
0xbc: {  	[sflag:s0] =	ssyncadd.remote.s32 $0x1  }
0xbd: {  	_ =	sfence.sel $0xFFFF  }
0xbe: {  	[dreg:$0x0] =	wrdreg $0xFFFFFFFF;
	(pc) =	sbr.abs _section_cstart, $3  }
0xbf: {  	[dreg:$0x1] =	wrdreg $0xFFFFFFFF  }
0xc0: {  	_ =	task.clear_ibuf [dreg:s6], $0x2FFFF;
	_ =	strace $0x9FFFFFFF  }
0xc1: {  	(tm) =	ssettm $0x7FFFFFFF  }
tec
execute0_lowered:
.L_overlay_start_1:
0x0: {  	(tag) =	ssettag $0x1  }
0x1: {  	s6 =	rddreg [dreg:$0x0]  }
0x2: {  	s0 =	rddreg [dreg:$0x1]  }
0x3: {  	s3 =	srdreg.scid;
	s1 =	stileid.u32  }
0x4: {  	s2 =	simm.s32 $0x0;
	s11 =	simm.s32 $0x14900;
	s12 =	simm.s32 $0x15900  }
0x5: {  	s13 =	simm.s32 $0x16900;
	s14 =	simm.s32 $0x5;
	s15 =	simm.s32 $0x1  }
0x6: {  	s16 =	simm.s32 $0x2;
	s3 =	sand.u32 $0x1, s3;
	s4 =	sshll.u32 s1, $0x1  }
0x7: {  	s17 =	simm.s32 $0x9C80;
	s18 =	simm.s32 $0x3;
	s4 =	sor.u32 s3, s4  }
0x8: {  	s19 =	simm.s32 $0x4;
	s20 =	simm.s32 $0x0;
	s5 =	smul.u32 $0x1388, s4  }
.Ltmp0:
0x9: {  	[smem:$0x7FF] =	sst s2;
	s7 =	ssub.s32 $0x2, s3;
	(pc) =	sbr.rel .LBB2_1-.Ltmp0, $4  }
0xa: {  	_ =	strace $0x80000047;
	s3 =	sadd.s32 $0xB200, s6;
	s8 =	sshrl.u32 s7, $0x1  }
0xb: {  	s4 =	sadd.s32 $0x1400, s6;
	s10 =	ssub.s32 s7, s8;
	s9 =	sadd.s32 s5, s6  }
0xc: {  	s5 =	sadd.s32 $0xB3F4, s6;
	s6 =	sadd.s32 $0x15F4, s6;
	s7 =	sadd.s32 $0x15000, s9  }
0xd: {  	v0 =	vimm.f32 $0.0e+00;
	s8 =	sadd.s32 $0x3C200, s9;
	s9 =	smax.u32 s10, $0x1;
	s10 =	simm.s32 $0x13900  }
.LBB2_10:
0xe: {  	s20 =	sadd.s32 $0x1, s20  }
0xf: {  	p0 =	sne.s32 s20, s9  }
.Ltmp1:
0x10: {  	_ = 	snop;
	(pc) =	sbr.rel @!p0 .LBB2_11-.Ltmp1, $4  }
0x11: {  	[hbm4b:s8+s2] =	stream.linear.scatter [tilespmem:s17], [sflag:$0x5], $0x9C40, $0x38;
	[tilespmem:$0x17900] =	vst v63  }
0x12: {  	_ =	swait.ge [sflag:s14], $0x9C40  }
0x13: {  	[sflag:s14] =	ssyncset.done $0x0  }
0x14: {  	[sflag:s14] =	ssyncadd.s32 $0xFFFF63C0  }
.LBB2_1:
0x15: {  	[tilespmem:s10], [sflag:$0x1] =	stream.linear.gather [hbm4b:s3+s2], $0xFA0, $0x38;
	[tilespmem:$0x17900] =	vst v63  }
0x16: {  	_ = 	snop  }
0x17: {  	[tilespmem:s11], [sflag:$0x2] =	stream.linear.gather [hbm4b:s4+s2], $0xFA0, $0x38;
	[tilespmem:$0x17900] =	vst v63  }
0x18: {  	_ = 	snop  }
0x19: {  	[tilespmem:s12], [sflag:$0x3] =	stream.linear.gather [hbm4b:s5+s2], $0xFA0, $0x38;
	[tilespmem:$0x17900] =	vst v63  }
0x1a: {  	_ = 	snop  }
0x1b: {  	[tilespmem:s13], [sflag:$0x4] =	stream.linear.gather [hbm4b:s6+s2], $0xFA0, $0x38;
	[tilespmem:$0x17900] =	vst v63  }
0x1c: {  	_ = 	snop  }
0x1d: {  	[tilespmem:s2], [sflag:$0x5] =	stream.linear.gather [hbm4b:s7+s2], $0x9C40, $0x38;
	[tilespmem:$0x17900] =	vst v63  }
0x1e: {  	_ =	swait.ge [sflag:s14], $0x9C40  }
0x1f: {  	[sflag:s14] =	ssyncset.done $0x0  }
0x20: {  	s21 =	simm.s32 $0x9CC0;
	[sflag:s14] =	ssyncadd.s32 $0xFFFF63C0  }
0x21: {  	[tilespmem:s21+$0xFFFFFFC0] =	vst v0  }
0x22: {  	[tilespmem:s21+$0x30] =	vst v0  }
0x23: {  	[tilespmem:s21+$0x20] =	vst v0  }
0x24: {  	[tilespmem:s21+$0x10] =	vst v0  }
0x25: {  	[tilespmem:s21+$0x0] =	vst v0  }
0x26: {  	[tilespmem:s21+$0xFFFFFFF0] =	vst v0  }
0x27: {  	s22 =	simm.s32 $0x0;
	[tilespmem:s21+$0xFFFFFFE0] =	vst v0  }
.LBB2_2:
0x28: {  	s22 =	sadd.s32 $0x8, s22;
	[tilespmem:s21+$0xFFFFFFD0] =	vst v0;
	s21 =	sadd.s32 $0x80, s21  }
0x29: {  	[tilespmem:s21+$0xFFFFFFC0] =	vst v0;
	p0 =	slt.u32 s22, $0x9B8  }
0x2a: {  	[tilespmem:s21+$0x30] =	vst v0  }
.Ltmp2:
0x2b: {  	[tilespmem:s21+$0x20] =	vst v0;
	(pc) =	sbr.rel @p0 .LBB2_2-.Ltmp2, $4  }
0x2c: {  	[tilespmem:s21+$0x10] =	vst v0  }
0x2d: {  	[tilespmem:s21+$0x0] =	vst v0  }
0x2e: {  	[tilespmem:s21+$0xFFFFFFF0] =	vst v0  }
0x2f: {  	[tilespmem:s21+$0xFFFFFFE0] =	vst v0  }
0x30: {  	[tilespmem:s21+$0xFFFFFFD0] =	vst v0  }
0x31: {  	[tilespmem:$0x13880] =	vst v0  }
0x32: {  	[tilespmem:$0x13890] =	vst v0  }
0x33: {  	[tilespmem:$0x138A0] =	vst v0  }
0x34: {  	s21 =	simm.s32 $0x0;
	[tilespmem:$0x138B0] =	vst v0  }
.LBB2_4:
0x35: {  	_ =	swait.ge [sflag:s15], $0xFA0  }
0x36: {  	[sflag:s15] =	ssyncset.done $0x0  }
0x37: {  	[sflag:s15] =	ssyncadd.s32 $0xFFFFF060  }
0x38: {  	_ =	swait.ge [sflag:s16], $0xFA0  }
0x39: {  	[sflag:s16] =	ssyncset.done $0x0  }
0x3a: {  	s22 =	simm.s32 $0x0;
	[sflag:s16] =	ssyncadd.s32 $0xFFFFF060  }
0x3b: {  	v6 =	vld [tilespmem:s22+$0x13900];
	_ =	sdelay $0x4  }
0x3c: {  	v1 =	vld [tilespmem:s22+$0x14900];
	_ =	sdelay $0x2  }
0x3d: {  	s30 =	simm.s32 $0x10;
	v3 =	vld.idx.msk [tilespmem:v6+s2+$0x0], $0xffff  }
0x3e: {  	v4 =	vld [tilespmem:s30+$0x13900];
	v5 =	vadd.s32 $0x2710, v6;
	_ =	sdelay $0x2  }
0x3f: {  	v2 =	vld [tilespmem:s30+$0x14900]  }
0x40: {  	[tilespmem:v1+s17+$0x0] =	vst.idx.add.f32.msk $0xffff, v3  }
0x41: {  	v8 =	vadd.s32 $0x2710, v1;
	v7 =	vld.idx.msk [tilespmem:v5+s2+$0x0], $0xffff  }
0x42: {  	s31 =	simm.s32 $0x20;
	v9 =	vadd.s32 $0x4E20, v6  }
0x43: {  	v5 =	vld [tilespmem:s31+$0x13900]  }
0x44: {  	s23 =	simm.s32 $0x30;
	v10 =	vld.idx.msk [tilespmem:v4+s2+$0x0], $0xffff  }
0x45: {  	v11 =	vadd.s32 $0x2710, v4;
	v12 =	vadd.s32 $0x7530, v6;
	v6 =	vld [tilespmem:s23+$0x13900]  }
0x46: {  	[tilespmem:v8+s17+$0x0] =	vst.idx.add.f32.msk $0xffff, v7  }
0x47: {  	v7 =	vld.idx.msk [tilespmem:v9+s2+$0x0], $0xffff;
	v9 =	vadd.s32 $0x4E20, v1  }
0x48: {  	v3 =	vld [tilespmem:s31+$0x14900]  }
0x49: {  	[tilespmem:v2+s17+$0x0] =	vst.idx.add.f32.msk $0xffff, v10  }
0x4a: {  	v8 =	vld.idx.msk [tilespmem:v11+s2+$0x0], $0xffff  }
0x4b: {  	v10 =	vadd.s32 $0x2710, v2;
	v11 =	vld.idx.msk [tilespmem:v5+s2+$0x0], $0xffff  }
0x4c: {  	[tilespmem:v9+s17+$0x0] =	vst.idx.add.f32.msk $0xffff, v7;
	v9 =	vadd.s32 $0x4E20, v4  }
0x4d: {  	v7 =	vld.idx.msk [tilespmem:v12+s2+$0x0], $0xffff;
	v12 =	vmov v3  }
0x4e: {  	s22 =	simm.s32 $0x100;
	v13 =	vadd.s32 $0x2710, v5  }
.LBB2_5:
0x4f: {  	p0 =	sne.s32 s22, $0x3E40;
	v14 =	vadd.s32 $0x7530, v1;
	v1 =	vmov v2;
	v2 =	vmov v3;
	v3 =	vld [tilespmem:s23+$0x14900]  }
0x50: {  	[tilespmem:v10+s17+$0x0] =	vst.idx.add.f32.msk $0xffff, v8;
	v15 =	vmov v6  }
0x51: {  	v16 =	vld.idx.msk [tilespmem:v9+s2+$0x0], $0xffff  }
0x52: {  	v17 =	vadd.s32 $0x4E20, v1;
	[tilespmem:v12+s17+$0x0] =	vst.idx.add.f32.msk $0xffff, v11  }
0x53: {  	v18 =	vadd.s32 $0x7530, v4;
	v4 =	vmov v5;
	v5 =	vmov v6;
	v8 =	vld.idx.msk [tilespmem:v13+s2+$0x0], $0xffff  }
.Ltmp3:
0x54: {  	s23 =	sshra.s32 s22, $0x2;
	[tilespmem:v14+s17+$0x0] =	vst.idx.add.f32.msk $0xffff, v7;
	v12 =	vmov v3;
	(pc) =	sbr.rel @p0 .LBB2_5-.Ltmp3, $4  }
0x55: {  	v10 =	vadd.s32 $0x2710, v2;
	v6 =	vld [tilespmem:s23+$0x13900]  }
0x56: {  	v9 =	vadd.s32 $0x4E20, v4;
	v11 =	vld.idx.msk [tilespmem:v15+s2+$0x0], $0xffff  }
0x57: {  	[tilespmem:v17+s17+$0x0] =	vst.idx.add.f32.msk $0xffff, v16  }
0x58: {  	s22 =	sadd.s32 $0x40, s22;
	v13 =	vadd.s32 $0x2710, v5;
	v7 =	vld.idx.msk [tilespmem:v18+s2+$0x0], $0xffff  }
0x59: {  	_ =	sdelay $0x1  }
0x5a: {  	v14 =	vld [tilespmem:s23+$0x14900];
	_ =	sdelay $0x2  }
0x5b: {  	v15 =	vld.idx.msk [tilespmem:v6+s2+$0x0], $0xffff  }
0x5c: {  	v16 =	vadd.s32 $0x2710, v6;
	_ =	sdelay $0x1  }
0x5d: {  	[tilespmem:v12+s17+$0x0] =	vst.idx.add.f32.msk $0xffff, v11  }
0x5e: {  	v12 =	vadd.s32 $0x2710, v3;
	v11 =	vld.idx.msk [tilespmem:v13+s2+$0x0], $0xffff  }
0x5f: {  	v13 =	vadd.s32 $0x4E20, v5;
	[tilespmem:v14+s17+$0x0] =	vst.idx.add.f32.msk $0xffff, v15  }
0x60: {  	v63 =	vadd.s32 $0x2710, v14;
	v15 =	vld.idx.msk [tilespmem:v16+s2+$0x0], $0xffff  }
0x61: {  	[tilespmem:v10+s17+$0x0] =	vst.idx.add.f32.msk $0xffff, v8;
	v8 =	vadd.s32 $0x4E20, v6  }
0x62: {  	v10 =	vadd.s32 $0x4E20, v2;
	v9 =	vld.idx.msk [tilespmem:v9+s2+$0x0], $0xffff  }
0x63: {  	v4 =	vadd.s32 $0x7530, v4;
	[tilespmem:v12+s17+$0x0] =	vst.idx.add.f32.msk $0xffff, v11  }
0x64: {  	v12 =	vadd.s32 $0x4E20, v3;
	v11 =	vld.idx.msk [tilespmem:v13+s2+$0x0], $0xffff  }
0x65: {  	v5 =	vadd.s32 $0x7530, v5;
	[tilespmem:v63+s17+$0x0] =	vst.idx.add.f32.msk $0xffff, v15  }
0x66: {  	v13 =	vadd.s32 $0x4E20, v14;
	v8 =	vld.idx.msk [tilespmem:v8+s2+$0x0], $0xffff  }
0x67: {  	v6 =	vadd.s32 $0x7530, v6;
	[tilespmem:v10+s17+$0x0] =	vst.idx.add.f32.msk $0xffff, v9  }
0x68: {  	v4 =	vld.idx.msk [tilespmem:v4+s2+$0x0], $0xffff  }
0x69: {  	v1 =	vadd.s32 $0x7530, v1;
	[tilespmem:v12+s17+$0x0] =	vst.idx.add.f32.msk $0xffff, v11  }
0x6a: {  	v2 =	vadd.s32 $0x7530, v2;
	v5 =	vld.idx.msk [tilespmem:v5+s2+$0x0], $0xffff  }
0x6b: {  	v3 =	vadd.s32 $0x7530, v3;
	[tilespmem:v13+s17+$0x0] =	vst.idx.add.f32.msk $0xffff, v8  }
0x6c: {  	p0 =	seq.s32 s21, $0x27;
	v8 =	vadd.s32 $0x7530, v14;
	v6 =	vld.idx.msk [tilespmem:v6+s2+$0x0], $0xffff  }
0x6d: {  	s22 =	smul.u32 @!p0 $0x1F40, s21  }
0x6e: {  	[tilespmem:v1+s17+$0x0] =	vst.idx.add.f32.msk $0xffff, v7  }
0x6f: {  	s22 =	sshrl.u32 @!p0 s22, $0x3;
	[tilespmem:v2+s17+$0x0] =	vst.idx.add.f32.msk $0xffff, v4  }
0x70: {  	s22 =	sadd.s32 @!p0 $0x3E8, s22;
	[tilespmem:v3+s17+$0x0] =	vst.idx.add.f32.msk $0xffff, v5  }
0x71: {  	s24 =	simm.s32 @!p0 $0x0;
	s25 =	simm.s32 @!p0 $0x13900;
	s23 =	sadd.s32 @!p0 s3, s22;
	[tilespmem:v8+s17+$0x0] =	vst.idx.add.f32.msk $0xffff, v6  }
0x72: {  	[tilespmem:s25], [sflag:$0x1] =	stream.linear.gather @!p0 [hbm4b:s23+s24], $0xFA0, $0x38;
	[tilespmem:$0x17900] =	vst v63  }
0x73: {  	s22 =	sadd.s32 @!p0 s4, s22;
	s23 =	simm.s32 @!p0 $0x14900  }
0x74: {  	[tilespmem:s23], [sflag:$0x2] =	stream.linear.gather @!p0 [hbm4b:s22+s24], $0xFA0, $0x38;
	[tilespmem:$0x17900] =	vst v63  }
0x75: {  	_ =	swait.ge [sflag:s18], $0xFA0  }
0x76: {  	[sflag:s18] =	ssyncset.done $0x0  }
0x77: {  	[sflag:s18] =	ssyncadd.s32 $0xFFFFF060  }
0x78: {  	_ =	swait.ge [sflag:s19], $0xFA0  }
0x79: {  	[sflag:s19] =	ssyncset.done $0x0  }
0x7a: {  	s29 =	simm.s32 $0x0;
	[sflag:s19] =	ssyncadd.s32 $0xFFFFF060  }
0x7b: {  	v6 =	vld [tilespmem:s29+$0x15900];
	_ =	sdelay $0x4  }
0x7c: {  	v1 =	vld [tilespmem:s29+$0x16900];
	_ =	sdelay $0x2  }
0x7d: {  	s30 =	simm.s32 $0x10;
	v3 =	vld.idx.msk [tilespmem:v6+s2+$0x0], $0xffff  }
0x7e: {  	v4 =	vld [tilespmem:s30+$0x15900];
	v5 =	vadd.s32 $0x2710, v6;
	_ =	sdelay $0x2  }
0x7f: {  	v2 =	vld [tilespmem:s30+$0x16900]  }
0x80: {  	[tilespmem:v1+s17+$0x0] =	vst.idx.add.f32.msk $0xffff, v3  }
0x81: {  	v8 =	vadd.s32 $0x2710, v1;
	v7 =	vld.idx.msk [tilespmem:v5+s2+$0x0], $0xffff  }
0x82: {  	s31 =	simm.s32 $0x20;
	v9 =	vadd.s32 $0x4E20, v6  }
0x83: {  	v5 =	vld [tilespmem:s31+$0x15900]  }
0x84: {  	s23 =	simm.s32 $0x30;
	v10 =	vld.idx.msk [tilespmem:v4+s2+$0x0], $0xffff  }
0x85: {  	v11 =	vadd.s32 $0x2710, v4;
	v12 =	vadd.s32 $0x7530, v6;
	v6 =	vld [tilespmem:s23+$0x15900]  }
0x86: {  	[tilespmem:v8+s17+$0x0] =	vst.idx.add.f32.msk $0xffff, v7  }
0x87: {  	v7 =	vld.idx.msk [tilespmem:v9+s2+$0x0], $0xffff;
	v9 =	vadd.s32 $0x4E20, v1  }
0x88: {  	v3 =	vld [tilespmem:s31+$0x16900]  }
0x89: {  	[tilespmem:v2+s17+$0x0] =	vst.idx.add.f32.msk $0xffff, v10  }
0x8a: {  	v8 =	vld.idx.msk [tilespmem:v11+s2+$0x0], $0xffff  }
0x8b: {  	v10 =	vadd.s32 $0x2710, v2;
	v11 =	vld.idx.msk [tilespmem:v5+s2+$0x0], $0xffff  }
0x8c: {  	[tilespmem:v9+s17+$0x0] =	vst.idx.add.f32.msk $0xffff, v7;
	v9 =	vadd.s32 $0x4E20, v4  }
0x8d: {  	v7 =	vld.idx.msk [tilespmem:v12+s2+$0x0], $0xffff;
	v12 =	vmov v3  }
0x8e: {  	s22 =	simm.s32 $0x100;
	v13 =	vadd.s32 $0x2710, v5  }
.LBB2_7:
0x8f: {  	p1 =	sne.s32 s22, $0x3E40;
	v14 =	vadd.s32 $0x7530, v1;
	v1 =	vmov v2;
	v2 =	vmov v3;
	v3 =	vld [tilespmem:s23+$0x16900]  }
0x90: {  	[tilespmem:v10+s17+$0x0] =	vst.idx.add.f32.msk $0xffff, v8;
	v15 =	vmov v6  }
0x91: {  	v16 =	vld.idx.msk [tilespmem:v9+s2+$0x0], $0xffff  }
0x92: {  	v17 =	vadd.s32 $0x4E20, v1;
	[tilespmem:v12+s17+$0x0] =	vst.idx.add.f32.msk $0xffff, v11  }
0x93: {  	v18 =	vadd.s32 $0x7530, v4;
	v4 =	vmov v5;
	v5 =	vmov v6;
	v8 =	vld.idx.msk [tilespmem:v13+s2+$0x0], $0xffff  }
.Ltmp4:
0x94: {  	s23 =	sshra.s32 s22, $0x2;
	[tilespmem:v14+s17+$0x0] =	vst.idx.add.f32.msk $0xffff, v7;
	v12 =	vmov v3;
	(pc) =	sbr.rel @p1 .LBB2_7-.Ltmp4, $4  }
0x95: {  	v10 =	vadd.s32 $0x2710, v2;
	v6 =	vld [tilespmem:s23+$0x15900]  }
0x96: {  	v9 =	vadd.s32 $0x4E20, v4;
	v11 =	vld.idx.msk [tilespmem:v15+s2+$0x0], $0xffff  }
0x97: {  	[tilespmem:v17+s17+$0x0] =	vst.idx.add.f32.msk $0xffff, v16  }
0x98: {  	s22 =	sadd.s32 $0x40, s22;
	v13 =	vadd.s32 $0x2710, v5;
	v7 =	vld.idx.msk [tilespmem:v18+s2+$0x0], $0xffff  }
0x99: {  	_ =	sdelay $0x1  }
0x9a: {  	v14 =	vld [tilespmem:s23+$0x16900];
	_ =	sdelay $0x2  }
0x9b: {  	v15 =	vld.idx.msk [tilespmem:v6+s2+$0x0], $0xffff  }
0x9c: {  	v16 =	vadd.s32 $0x2710, v6;
	_ =	sdelay $0x1  }
0x9d: {  	[tilespmem:v12+s17+$0x0] =	vst.idx.add.f32.msk $0xffff, v11  }
0x9e: {  	v54 =	vadd.s32 $0x2710, v3;
	v11 =	vld.idx.msk [tilespmem:v13+s2+$0x0], $0xffff  }
0x9f: {  	v55 =	vadd.s32 $0x4E20, v5;
	[tilespmem:v14+s17+$0x0] =	vst.idx.add.f32.msk $0xffff, v15  }
0xa0: {  	v56 =	vadd.s32 $0x2710, v14;
	v15 =	vld.idx.msk [tilespmem:v16+s2+$0x0], $0xffff  }
0xa1: {  	[tilespmem:v10+s17+$0x0] =	vst.idx.add.f32.msk $0xffff, v8;
	v57 =	vadd.s32 $0x4E20, v6  }
0xa2: {  	v58 =	vadd.s32 $0x4E20, v2;
	v9 =	vld.idx.msk [tilespmem:v9+s2+$0x0], $0xffff  }
0xa3: {  	v4 =	vadd.s32 $0x7530, v4;
	[tilespmem:v54+s17+$0x0] =	vst.idx.add.f32.msk $0xffff, v11  }
0xa4: {  	v59 =	vadd.s32 $0x4E20, v3;
	v11 =	vld.idx.msk [tilespmem:v55+s2+$0x0], $0xffff  }
0xa5: {  	v60 =	vadd.s32 $0x7530, v5;
	[tilespmem:v56+s17+$0x0] =	vst.idx.add.f32.msk $0xffff, v15  }
0xa6: {  	v61 =	vadd.s32 $0x4E20, v14;
	v8 =	vld.idx.msk [tilespmem:v57+s2+$0x0], $0xffff  }
0xa7: {  	v62 =	vadd.s32 $0x7530, v6;
	[tilespmem:v58+s17+$0x0] =	vst.idx.add.f32.msk $0xffff, v9  }
0xa8: {  	v4 =	vld.idx.msk [tilespmem:v4+s2+$0x0], $0xffff  }
0xa9: {  	v1 =	vadd.s32 $0x7530, v1;
	[tilespmem:v59+s17+$0x0] =	vst.idx.add.f32.msk $0xffff, v11  }
0xaa: {  	v2 =	vadd.s32 $0x7530, v2;
	v5 =	vld.idx.msk [tilespmem:v60+s2+$0x0], $0xffff  }
0xab: {  	v3 =	vadd.s32 $0x7530, v3;
	[tilespmem:v61+s17+$0x0] =	vst.idx.add.f32.msk $0xffff, v8  }
0xac: {  	v63 =	vadd.s32 $0x7530, v14;
	v6 =	vld.idx.msk [tilespmem:v62+s2+$0x0], $0xffff  }
.Ltmp5:
0xad: {  	_ = 	snop;
	(pc) =	sbr.rel @p0 .LBB2_10-.Ltmp5, $4  }
0xae: {  	[tilespmem:v1+s17+$0x0] =	vst.idx.add.f32.msk $0xffff, v7  }
0xaf: {  	[tilespmem:v2+s17+$0x0] =	vst.idx.add.f32.msk $0xffff, v4  }
0xb0: {  	[tilespmem:v3+s17+$0x0] =	vst.idx.add.f32.msk $0xffff, v5  }
0xb1: {  	[tilespmem:v63+s17+$0x0] =	vst.idx.add.f32.msk $0xffff, v6  }
0xb2: {  	s22 =	smul.u32 $0x1F40, s21;
	_ =	sdelay $0x1  }
0xb3: {  	s22 =	sshrl.u32 s22, $0x3  }
.Ltmp6:
0xb4: {  	s22 =	sadd.s32 $0x5DC, s22;
	(pc) =	sbr.rel .LBB2_4-.Ltmp6, $4  }
0xb5: {  	s23 =	sadd.s32 s3, s22  }
0xb6: {  	[tilespmem:s12], [sflag:$0x3] =	stream.linear.gather [hbm4b:s23+s2], $0xFA0, $0x38;
	[tilespmem:$0x17900] =	vst v63  }
0xb7: {  	s21 =	sadd.s32 $0x1, s21;
	s22 =	sadd.s32 s4, s22  }
0xb8: {  	[tilespmem:s13], [sflag:$0x4] =	stream.linear.gather [hbm4b:s22+s2], $0xFA0, $0x38;
	[tilespmem:$0x17900] =	vst v63  }
.LBB2_11:
0xb9: {  	_ =	sfence.sel $0x180000  }
0xba: {  	[bflag:$0x0] =	sbarrier.arrive $0xFFFF  }
0xbb: {  	p0 =	sne.s32 s1, $0x0;
	_ =	strace $0x90000047  }
0xbc: {  	s0 =	sadd.s32 @!p0 $0x100000, s0;
	[bflag:$0x2] =	sbarrier.arrive $0xFFFF  }
0xbd: {  	[sflag:s0] =	ssyncadd.tile.s32 @!p0 $0x1;
	_ =	shalt  }
.Lfunc_end2:
_tile_overlayer_lowered:
.L_overlay_start_2:
0xbe: {  	(tag) =	ssettag $0x2  }
0xbf: {  	s0 =	rddreg [dreg:$0x0];
	s2 =	stileid.u32  }
0xc0: {  	s1 =	rddreg [dreg:$0x1];
	p0 =	sne.s32 s2, $0x0  }
0xc1: {  	s3 =	rddreg [dreg:$0x2];
	[bflag:$0x3] =	sbarrier.arrive $0xFFFF;
	s2 =	simm.s32 @!p0 $0x1C05  }
0xc2: {  	[timem:s3], [sflag:s2] =	dma.local @!p0 [hbm:s0], s1  }
0xc3: {  	s0 =	simm.s32 @!p0 $0x5  }
0xc4: {  	_ =	swait.ge @!p0 [sflag:s0], s1  }
0xc5: {  	s1 =	ssub.s32 @!p0 $0x0, s1;
	[sflag:s0] =	ssyncset.done @!p0 $0x0  }
0xc6: {  	[sflag:s0] =	ssyncadd.s32 @!p0 s1  }
0xc7: {  	[bflag:$0x3] =	sbarrier.arrive $0xFFFF  }
0xc8: {  	_ =	shalt  }

</sc_bundles>
